<compile_context>
chip_gen: v7x
topology: tpu7x:2x2x1
jax: 0.10.2.dev20260603
libtpu: 0.0.44.dev20260713+nightly
codegen_flags: <defaults>
</compile_context>

<pallas_src>
import jax
import jax.numpy as jnp
from jax import lax
from jax.experimental import pallas as pl
from jax.experimental.pallas import tpu as pltpu
from jax.experimental.pallas import tpu_sc as plsc

N = 10000
E = 320000
D = 128
DH = D // 2

NC = 2
NS = 16
CHUNK = 128
CPT = 160
E_PAD = NS * CHUNK * CPT
N_ACC = 10240
ZR = N_ACC // NS
DR = 632
DR_LAST = N - 15 * DR

RB = 2000
NBLK = N // RB


def _seg_sum_kernel(h_hbm, src_hbm, dst_hbm, z_hbm, out_hbm,
                    src_v, dst_v, r0, r1, r2, r3, acc_sh, h_sh,
                    g0, g1, g2, g3, s0, s1, s2, s3):
    rows = [r0, r1, r2, r3]
    gsem = [g0, g1, g2, g3]
    ssem = [s0, s1, s2, s3]
    cid = lax.axis_index("c")
    sid = lax.axis_index("s")

    pltpu.sync_copy(z_hbm.at[pl.ds(sid * ZR, ZR)], acc_sh.at[pl.ds(sid * ZR, ZR)])
    plsc.subcore_barrier()

    hr = sid * DR

    @pl.when(sid < NS - 1)
    def _():
        pltpu.sync_copy(h_hbm.at[pl.ds(cid * N + hr, DR)], h_sh.at[pl.ds(hr, DR)])

    @pl.when(sid == NS - 1)
    def _():
        pltpu.sync_copy(h_hbm.at[pl.ds(cid * N + 15 * DR, DR_LAST)],
                        h_sh.at[pl.ds(15 * DR, DR_LAST)])

    pltpu.sync_copy(src_hbm.at[pl.ds(sid * CPT, CPT)], src_v)
    pltpu.sync_copy(dst_hbm.at[pl.ds(sid * CPT, CPT)], dst_v)
    plsc.subcore_barrier()

    def step(i, carry):
        pltpu.async_copy(h_sh.at[src_v.at[i]], r0, g0).wait()
        pltpu.sync_copy(r0, acc_sh.at[dst_v.at[i]], add=True)
        return carry

    _ = (rows, gsem, r1, r2, r3, g1, g2, g3, s0, s1, s2, s3)
    lax.fori_loop(0, CPT, step, 0)
    plsc.subcore_barrier()

    rr = sid * DR

    @pl.when(sid < NS - 1)
    def _():
        pltpu.sync_copy(acc_sh.at[pl.ds(rr, DR)],
                        out_hbm.at[pl.ds(cid * N + rr, DR)])

    @pl.when(sid == NS - 1)
    def _():
        pltpu.sync_copy(acc_sh.at[pl.ds(15 * DR, DR_LAST)],
                        out_hbm.at[pl.ds(cid * N + 15 * DR, DR_LAST)])


def _segment_sum_sc(h_split, src2, dst_p, zeros):
    mesh = plsc.VectorSubcoreMesh(core_axis_name="c", subcore_axis_name="s")
    return pl.kernel(
        _seg_sum_kernel,
        out_type=jax.ShapeDtypeStruct((NC * N, DH), jnp.float32),
        mesh=mesh,
        compiler_params=pltpu.CompilerParams(use_tc_tiling_on_sc=False),
        scratch_types=(
            [pltpu.VMEM((CPT, CHUNK), jnp.int32),
             pltpu.VMEM((CPT, CHUNK), jnp.int32)]
            + [pltpu.VMEM((CHUNK, DH), jnp.float32) for _ in range(4)]
            + [pltpu.VMEM_SHARED((N_ACC, DH), jnp.float32),
               pltpu.VMEM_SHARED((N_ACC, DH), jnp.float32)]
            + [pltpu.SemaphoreType.DMA for _ in range(8)]
        ),
    )(h_split, src2, dst_p, zeros)


def _mm_relu_kernel(x_ref, w_ref, b_ref, o_ref):
    c = pl.program_id(0)
    res = jnp.maximum(
        jnp.dot(x_ref[...], w_ref[...], preferred_element_type=jnp.float32,
                precision=jax.lax.Precision.HIGHEST)
        + b_ref[...], 0.0)
    @pl.when(c == 0)
    def _():
        o_ref[...] = res[:, :DH]

    @pl.when(c == 1)
    def _():
        o_ref[...] = res[:, DH:]


def _gin_mm_kernel(hlo_ref, hhi_ref, plo_ref, phi_ref, w_ref, b_ref, o_ref):
    c = pl.program_id(0)
    t = jnp.concatenate([hlo_ref[...] + plo_ref[...],
                         hhi_ref[...] + phi_ref[...]], axis=1)
    res = jnp.maximum(
        jnp.dot(t, w_ref[...], preferred_element_type=jnp.float32,
                precision=jax.lax.Precision.HIGHEST)
        + b_ref[...], 0.0)
    @pl.when(c == 0)
    def _():
        o_ref[...] = res[:, :DH]

    @pl.when(c == 1)
    def _():
        o_ref[...] = res[:, DH:]


def _final_kernel(hlo_ref, hhi_ref, plo_ref, phi_ref, w_ref, b_ref,
                  wmt_ref, bm_ref, emb_ref, out_ref):
    t = jnp.concatenate([hlo_ref[...] + plo_ref[...],
                         hhi_ref[...] + phi_ref[...]], axis=1)
    h2 = jnp.maximum(
        jnp.dot(t, w_ref[...], preferred_element_type=jnp.float32,
                precision=jax.lax.Precision.HIGHEST)
        + b_ref[...], 0.0)
    emb_ref[...] = h2
    logits = jnp.sum(h2 * wmt_ref[...], axis=1, keepdims=True) + bm_ref[...]
    out_ref[...] = jax.nn.sigmoid(logits)


def _mm_relu_split(x, W, b):
    return pl.pallas_call(
        _mm_relu_kernel,
        grid=(NC, NBLK),
        in_specs=[pl.BlockSpec((RB, D), lambda c, i: (i, 0)),
                  pl.BlockSpec((D, D), lambda c, i: (0, 0)),
                  pl.BlockSpec((1, D), lambda c, i: (0, 0))],
        out_specs=pl.BlockSpec((RB, DH), lambda c, i: (c * NBLK + i, 0)),
        out_shape=jax.ShapeDtypeStruct((NC * N, DH), jnp.float32),
    )(x, W, b.reshape(1, D))


def _gin_mm_split(h_split, parts, W, b):
    return pl.pallas_call(
        _gin_mm_kernel,
        grid=(NC, NBLK),
        in_specs=[pl.BlockSpec((RB, DH), lambda c, i: (i, 0)),
                  pl.BlockSpec((RB, DH), lambda c, i: (NBLK + i, 0)),
                  pl.BlockSpec((RB, DH), lambda c, i: (i, 0)),
                  pl.BlockSpec((RB, DH), lambda c, i: (NBLK + i, 0)),
                  pl.BlockSpec((D, D), lambda c, i: (0, 0)),
                  pl.BlockSpec((1, D), lambda c, i: (0, 0))],
        out_specs=pl.BlockSpec((RB, DH), lambda c, i: (c * NBLK + i, 0)),
        out_shape=jax.ShapeDtypeStruct((NC * N, DH), jnp.float32),
    )(h_split, h_split, parts, parts, W, b.reshape(1, D))


def _final_mm(h_split, parts, W, b, Wm_t, bm):
    return pl.pallas_call(
        _final_kernel,
        grid=(NBLK,),
        in_specs=[pl.BlockSpec((RB, DH), lambda i: (i, 0)),
                  pl.BlockSpec((RB, DH), lambda i: (NBLK + i, 0)),
                  pl.BlockSpec((RB, DH), lambda i: (i, 0)),
                  pl.BlockSpec((RB, DH), lambda i: (NBLK + i, 0)),
                  pl.BlockSpec((D, D), lambda i: (0, 0)),
                  pl.BlockSpec((1, D), lambda i: (0, 0)),
                  pl.BlockSpec((1, D), lambda i: (0, 0)),
                  pl.BlockSpec((1, 1), lambda i: (0, 0))],
        out_specs=[pl.BlockSpec((RB, D), lambda i: (i, 0)),
                   pl.BlockSpec((RB, 1), lambda i: (i, 0))],
        out_shape=[jax.ShapeDtypeStruct((N, D), jnp.float32),
                   jax.ShapeDtypeStruct((N, 1), jnp.float32)],
    )(h_split, h_split, parts, parts, W, b.reshape(1, D), Wm_t,
      bm.reshape(1, 1))


def kernel(x, edge_index, Wf, bf, Wg0, bg0, gamma0, beta0,
           Wg1, bg1, gamma1, beta1, Wm, bm):
    src = edge_index[0]
    dst = edge_index[1]
    pad = E_PAD - E
    src_p = jnp.concatenate([src, jnp.zeros((pad,), jnp.int32)])
    src2 = src_p.reshape(NS * CPT, CHUNK)
    dst_p = jnp.concatenate([dst, jnp.full((pad,), N, jnp.int32)])
    dst_p = dst_p.reshape(NS * CPT, CHUNK)
    zeros = jnp.zeros((N_ACC, DH), jnp.float32)

    s = 1.0 / jnp.sqrt(jnp.float32(1.0 + 1e-5))
    Wg0f = Wg0 * (gamma0 * s)[None, :]
    bg0f = bg0 * gamma0 * s + beta0
    Wg1f = Wg1 * (gamma1 * s)[None, :]
    bg1f = bg1 * gamma1 * s + beta1

    h0 = _mm_relu_split(x, Wf, bf)
    p0 = _segment_sum_sc(h0, src2, dst_p, zeros)
    h1 = _gin_mm_split(h0, p0, Wg0f, bg0f)
    p1 = _segment_sum_sc(h1, src2, dst_p, zeros)
    emb, out = _final_mm(h1, p1, Wg1f, bg1f, Wm.reshape(1, D), bm)
    return (out, emb)

# --- scband reference (transcript-rebuilt; emitter-appended) ---
"""Pipeline reference for scband-discriminator-26396869001791 (READ-ONLY COPY).

The authoritative reference and input builder live on the scoring server;
editing this copy changes nothing except your own understanding.
"""

import jax, jax.numpy as jnp
import numpy as np

N = 10000
E = 320000
D = 128


def setup_inputs(seed: int = 0) -> dict:
    key = jax.random.key(seed)
    ks = jax.random.split(key, 16)
    inp = {}
    inp["x"] = jax.random.normal(ks[0], (N, D), dtype=jnp.float32)
    inp["edge_index"] = jax.random.randint(ks[1], (2, E), 0, N, dtype=jnp.int32)
    # feature_transform Linear(node_fea_dim=D, emb_dim=D)
    inp["Wf"] = jax.random.normal(ks[2], (D, D), dtype=jnp.float32) * 0.05
    inp["bf"] = jnp.zeros((D,), dtype=jnp.float32)
    # GIN layer 0: nn.Sequential(nn.Linear(D, D)), eps=0
    inp["Wg0"] = jax.random.normal(ks[3], (D, D), dtype=jnp.float32) * 0.05
    inp["bg0"] = jnp.zeros((D,), dtype=jnp.float32)
    inp["gamma0"] = jnp.ones((D,), dtype=jnp.float32)
    inp["beta0"] = jnp.zeros((D,), dtype=jnp.float32)
    # GIN layer 1
    inp["Wg1"] = jax.random.normal(ks[4], (D, D), dtype=jnp.float32) * 0.05
    inp["bg1"] = jnp.zeros((D,), dtype=jnp.float32)
    inp["gamma1"] = jnp.ones((D,), dtype=jnp.float32)
    inp["beta1"] = jnp.zeros((D,), dtype=jnp.float32)
    # final mlp Linear(D, 1)
    inp["Wm"] = jax.random.normal(ks[5], (D, 1), dtype=jnp.float32) * 0.05
    inp["bm"] = jnp.zeros((1,), dtype=jnp.float32)
    return inp


def _gin_conv(h, src, dst, W, b):
    # PyG GINConv with eps=0 and nn=Linear: out = Linear(x + sum_{j in N(i)} x_j)
    msgs = jnp.take(h, src, axis=0)
    agg = jax.ops.segment_sum(msgs, dst, num_segments=h.shape[0])
    return (h + agg) @ W + b


def _bn_eval(h, gamma, beta):
    # BatchNorm1d in eval mode: running_mean=0, running_var=1, eps=1e-5
    return gamma * h / jnp.sqrt(1.0 + 1e-5) + beta


def reference(x, edge_index, Wf, bf, Wg0, bg0, gamma0, beta0, Wg1, bg1, gamma1, beta1, Wm, bm):
    src = edge_index[0]
    dst = edge_index[1]
    h = jax.nn.relu(x @ Wf + bf)
    # layer 0
    h = _gin_conv(h, src, dst, Wg0, bg0)
    h = _bn_eval(h, gamma0, beta0)
    h = jax.nn.relu(h)  # dropout p=0 -> identity
    # layer 1
    h = _gin_conv(h, src, dst, Wg1, bg1)
    h = _bn_eval(h, gamma1, beta1)
    h = jax.nn.relu(h)
    embedding = h
    out = jax.nn.sigmoid(h @ Wm + bm)
    return (out, embedding)

if __name__ == "__main__":
    import jax
    _d = setup_inputs()
    print(jax.jit(kernel)(*tuple(_d.values())))

</pallas_src>

<mosaic_0001>
#map = affine_map<(d0, d1) -> (0, 0)>
module attributes {stable_mosaic.version = 14 : i64} {
  func.func @_seg_sum_kernel(%arg0: i32, %arg1: i32, %arg2: memref<20000x64xf32, #tpu.memory_space<hbm>>, %arg3: memref<2560x128xi32, #tpu.memory_space<hbm>>, %arg4: memref<2560x128xi32, #tpu.memory_space<hbm>>, %arg5: memref<10240x64xf32, #tpu.memory_space<hbm>>, %arg6: memref<20000x64xf32, #tpu.memory_space<hbm>>, %arg7: memref<160x128xi32, #tpu.memory_space<vmem>>, %arg8: memref<160x128xi32, #tpu.memory_space<vmem>>, %arg9: memref<128x64xf32, #tpu.memory_space<vmem>>, %arg10: memref<128x64xf32, #tpu.memory_space<vmem>>, %arg11: memref<128x64xf32, #tpu.memory_space<vmem>>, %arg12: memref<128x64xf32, #tpu.memory_space<vmem>>, %arg13: memref<10240x64xf32, #tpu.memory_space<vmem_shared>>, %arg14: memref<10240x64xf32, #tpu.memory_space<vmem_shared>>, %arg15: memref<!tpu.dma_semaphore, #tpu.memory_space<semaphore_mem>>, %arg16: memref<!tpu.dma_semaphore, #tpu.memory_space<semaphore_mem>>, %arg17: memref<!tpu.dma_semaphore, #tpu.memory_space<semaphore_mem>>, %arg18: memref<!tpu.dma_semaphore, #tpu.memory_space<semaphore_mem>>, %arg19: memref<!tpu.dma_semaphore, #tpu.memory_space<semaphore_mem>>, %arg20: memref<!tpu.dma_semaphore, #tpu.memory_space<semaphore_mem>>, %arg21: memref<!tpu.dma_semaphore, #tpu.memory_space<semaphore_mem>>, %arg22: memref<!tpu.dma_semaphore, #tpu.memory_space<semaphore_mem>>) attributes {dimension_semantics = [#tpu.dimension_semantics<core_parallel>, #tpu.dimension_semantics<subcore_parallel>], iteration_bounds = array<i64: 2, 16>, scalar_prefetch = 0 : i64, scratch_operands = 16 : i64, tpu.core_type = #tpu.core_type<sc_vector_subcore>, window_params = [{transform_indices = #map}, {transform_indices = #map}, {transform_indices = #map}, {transform_indices = #map}, {transform_indices = #map}]} {
    %mul3A = arith.constant 640 : i32
    %mul3A_0 = arith.muli %arg1, %mul3A : i32
    %mul3A_1 = arith.constant 640 : i32
    %mul3A_2 = arith.muli %arg1, %mul3A_1 : i32
    "tpu.region"() ({
      %run_scoped3A = tpu.sem_alloc : memref<!tpu.dma_semaphore, #tpu.memory_space<semaphore_mem>>
      %dma_start3A = arith.constant 0 : i32
      %dma_start3A_34 = tpu.memref_slice %arg13[%mul3A_2, %dma_start3A] : memref<10240x64xf32, #tpu.memory_space<vmem_shared>> -> memref<640x64xf32, #tpu.memory_space<vmem_shared>>
      %dma_start3A_35 = arith.constant 0 : i32
      %dma_start3A_36 = tpu.memref_slice %arg5[%mul3A_0, %dma_start3A_35] : memref<10240x64xf32, #tpu.memory_space<hbm>> -> memref<640x64xf32, #tpu.memory_space<hbm>>
      tpu.enqueue_dma source(%dma_start3A_36 : memref<640x64xf32, #tpu.memory_space<hbm>>) target(%dma_start3A_34 : memref<640x64xf32, #tpu.memory_space<vmem_shared>>) target_semaphore(%run_scoped3A : memref<!tpu.dma_semaphore, #tpu.memory_space<semaphore_mem>>)
      %dma_wait3A = arith.constant 0 : i32
      %dma_wait3A_37 = tpu.memref_slice %arg13[%mul3A_2, %dma_wait3A] : memref<10240x64xf32, #tpu.memory_space<vmem_shared>> -> memref<640x64xf32, #tpu.memory_space<vmem_shared>>
      %dma_wait3A_38 = arith.constant 0 : i32
      %dma_wait3A_39 = tpu.memref_slice %arg5[%mul3A_0, %dma_wait3A_38] : memref<10240x64xf32, #tpu.memory_space<hbm>> -> memref<640x64xf32, #tpu.memory_space<hbm>>
      tpu.wait_dma2 semaphore(%run_scoped3A : memref<!tpu.dma_semaphore, #tpu.memory_space<semaphore_mem>>) src(%dma_wait3A_39 : memref<640x64xf32, #tpu.memory_space<hbm>>) dst(%dma_wait3A_37 : memref<640x64xf32, #tpu.memory_space<vmem_shared>>)
      tpu.yield
    }) : () -> ()
    %barrier3A = arith.constant 0 : index
    tpu.barrier barrier_id(%barrier3A)
    %mul3A_3 = arith.constant 632 : i32
    %mul3A_4 = arith.muli %arg1, %mul3A_3 : i32
    %lt3A = arith.constant 15 : i32
    %lt3A_5 = arith.cmpi slt, %arg1, %lt3A : i32
    %convert_element_type3A = arith.extui %lt3A_5 : i1 to i32
    %cond3A = arith.constant 0 : i32
    %cond3A_6 = arith.cmpi ne, %convert_element_type3A, %cond3A : i32
    scf.if %cond3A_6 {
      %mul3A_34 = arith.constant 10000 : i32
      %mul3A_35 = arith.muli %arg0, %mul3A_34 : i32
      %add3A = arith.addi %mul3A_35, %mul3A_4 : i32
      "tpu.region"() ({
        %run_scoped3A = tpu.sem_alloc : memref<!tpu.dma_semaphore, #tpu.memory_space<semaphore_mem>>
        %dma_start3A = arith.constant 0 : i32
        %dma_start3A_36 = tpu.memref_slice %arg14[%mul3A_4, %dma_start3A] : memref<10240x64xf32, #tpu.memory_space<vmem_shared>> -> memref<632x64xf32, #tpu.memory_space<vmem_shared>>
        %dma_start3A_37 = arith.constant 0 : i32
        %dma_start3A_38 = tpu.memref_slice %arg2[%add3A, %dma_start3A_37] : memref<20000x64xf32, #tpu.memory_space<hbm>> -> memref<632x64xf32, #tpu.memory_space<hbm>>
        tpu.enqueue_dma source(%dma_start3A_38 : memref<632x64xf32, #tpu.memory_space<hbm>>) target(%dma_start3A_36 : memref<632x64xf32, #tpu.memory_space<vmem_shared>>) target_semaphore(%run_scoped3A : memref<!tpu.dma_semaphore, #tpu.memory_space<semaphore_mem>>)
        %dma_wait3A = arith.constant 0 : i32
        %dma_wait3A_39 = tpu.memref_slice %arg14[%mul3A_4, %dma_wait3A] : memref<10240x64xf32, #tpu.memory_space<vmem_shared>> -> memref<632x64xf32, #tpu.memory_space<vmem_shared>>
        %dma_wait3A_40 = arith.constant 0 : i32
        %dma_wait3A_41 = tpu.memref_slice %arg2[%add3A, %dma_wait3A_40] : memref<20000x64xf32, #tpu.memory_space<hbm>> -> memref<632x64xf32, #tpu.memory_space<hbm>>
        tpu.wait_dma2 semaphore(%run_scoped3A : memref<!tpu.dma_semaphore, #tpu.memory_space<semaphore_mem>>) src(%dma_wait3A_41 : memref<632x64xf32, #tpu.memory_space<hbm>>) dst(%dma_wait3A_39 : memref<632x64xf32, #tpu.memory_space<vmem_shared>>)
        tpu.yield
      }) : () -> ()
    } else {
    }
    %eq3A = arith.constant 15 : i32
    %eq3A_7 = arith.cmpi eq, %arg1, %eq3A : i32
    %convert_element_type3A_8 = arith.extui %eq3A_7 : i1 to i32
    %cond3A_9 = arith.constant 0 : i32
    %cond3A_10 = arith.cmpi ne, %convert_element_type3A_8, %cond3A_9 : i32
    scf.if %cond3A_10 {
      %mul3A_34 = arith.constant 10000 : i32
      %mul3A_35 = arith.muli %arg0, %mul3A_34 : i32
      %add3A = arith.constant 9480 : i32
      %add3A_36 = arith.addi %mul3A_35, %add3A : i32
      "tpu.region"() ({
        %run_scoped3A = tpu.sem_alloc : memref<!tpu.dma_semaphore, #tpu.memory_space<semaphore_mem>>
        %dma_start3A = arith.constant 9480 : i32
        %dma_start3A_37 = arith.constant 0 : i32
        %dma_start3A_38 = tpu.memref_slice %arg14[%dma_start3A, %dma_start3A_37] : memref<10240x64xf32, #tpu.memory_space<vmem_shared>> -> memref<520x64xf32, #tpu.memory_space<vmem_shared>>
        %dma_start3A_39 = arith.constant 0 : i32
        %dma_start3A_40 = tpu.memref_slice %arg2[%add3A_36, %dma_start3A_39] : memref<20000x64xf32, #tpu.memory_space<hbm>> -> memref<520x64xf32, #tpu.memory_space<hbm>>
        tpu.enqueue_dma source(%dma_start3A_40 : memref<520x64xf32, #tpu.memory_space<hbm>>) target(%dma_start3A_38 : memref<520x64xf32, #tpu.memory_space<vmem_shared>>) target_semaphore(%run_scoped3A : memref<!tpu.dma_semaphore, #tpu.memory_space<semaphore_mem>>)
        %dma_wait3A = arith.constant 9480 : i32
        %dma_wait3A_41 = arith.constant 0 : i32
        %dma_wait3A_42 = tpu.memref_slice %arg14[%dma_wait3A, %dma_wait3A_41] : memref<10240x64xf32, #tpu.memory_space<vmem_shared>> -> memref<520x64xf32, #tpu.memory_space<vmem_shared>>
        %dma_wait3A_43 = arith.constant 0 : i32
        %dma_wait3A_44 = tpu.memref_slice %arg2[%add3A_36, %dma_wait3A_43] : memref<20000x64xf32, #tpu.memory_space<hbm>> -> memref<520x64xf32, #tpu.memory_space<hbm>>
        tpu.wait_dma2 semaphore(%run_scoped3A : memref<!tpu.dma_semaphore, #tpu.memory_space<semaphore_mem>>) src(%dma_wait3A_44 : memref<520x64xf32, #tpu.memory_space<hbm>>) dst(%dma_wait3A_42 : memref<520x64xf32, #tpu.memory_space<vmem_shared>>)
        tpu.yield
      }) : () -> ()
    } else {
    }
    %mul3A_11 = arith.constant 160 : i32
    %mul3A_12 = arith.muli %arg1, %mul3A_11 : i32
    "tpu.region"() ({
      %run_scoped3A = tpu.sem_alloc : memref<!tpu.dma_semaphore, #tpu.memory_space<semaphore_mem>>
      %dma_start3A = arith.constant 0 : i32
      %dma_start3A_34 = tpu.memref_slice %arg3[%mul3A_12, %dma_start3A] : memref<2560x128xi32, #tpu.memory_space<hbm>> -> memref<160x128xi32, #tpu.memory_space<hbm>>
      %dma_start3A_35 = arith.constant 0 : i32
      %dma_start3A_36 = tpu.memref_slice %arg3[%mul3A_12, %dma_start3A_35] : memref<2560x128xi32, #tpu.memory_space<hbm>> -> memref<160x128xi32, #tpu.memory_space<hbm>>
      tpu.enqueue_dma source(%dma_start3A_36 : memref<160x128xi32, #tpu.memory_space<hbm>>) target(%arg7 : memref<160x128xi32, #tpu.memory_space<vmem>>) target_semaphore(%run_scoped3A : memref<!tpu.dma_semaphore, #tpu.memory_space<semaphore_mem>>)
      %dma_wait3A = arith.constant 0 : i32
      %dma_wait3A_37 = tpu.memref_slice %arg3[%mul3A_12, %dma_wait3A] : memref<2560x128xi32, #tpu.memory_space<hbm>> -> memref<160x128xi32, #tpu.memory_space<hbm>>
      %dma_wait3A_38 = arith.constant 0 : i32
      %dma_wait3A_39 = tpu.memref_slice %arg3[%mul3A_12, %dma_wait3A_38] : memref<2560x128xi32, #tpu.memory_space<hbm>> -> memref<160x128xi32, #tpu.memory_space<hbm>>
      tpu.wait_dma2 semaphore(%run_scoped3A : memref<!tpu.dma_semaphore, #tpu.memory_space<semaphore_mem>>) src(%dma_wait3A_39 : memref<160x128xi32, #tpu.memory_space<hbm>>) dst(%arg7 : memref<160x128xi32, #tpu.memory_space<vmem>>)
      tpu.yield
    }) : () -> ()
    %mul3A_13 = arith.constant 160 : i32
    %mul3A_14 = arith.muli %arg1, %mul3A_13 : i32
    "tpu.region"() ({
      %run_scoped3A = tpu.sem_alloc : memref<!tpu.dma_semaphore, #tpu.memory_space<semaphore_mem>>
      %dma_start3A = arith.constant 0 : i32
      %dma_start3A_34 = tpu.memref_slice %arg4[%mul3A_14, %dma_start3A] : memref<2560x128xi32, #tpu.memory_space<hbm>> -> memref<160x128xi32, #tpu.memory_space<hbm>>
      %dma_start3A_35 = arith.constant 0 : i32
      %dma_start3A_36 = tpu.memref_slice %arg4[%mul3A_14, %dma_start3A_35] : memref<2560x128xi32, #tpu.memory_space<hbm>> -> memref<160x128xi32, #tpu.memory_space<hbm>>
      tpu.enqueue_dma source(%dma_start3A_36 : memref<160x128xi32, #tpu.memory_space<hbm>>) target(%arg8 : memref<160x128xi32, #tpu.memory_space<vmem>>) target_semaphore(%run_scoped3A : memref<!tpu.dma_semaphore, #tpu.memory_space<semaphore_mem>>)
      %dma_wait3A = arith.constant 0 : i32
      %dma_wait3A_37 = tpu.memref_slice %arg4[%mul3A_14, %dma_wait3A] : memref<2560x128xi32, #tpu.memory_space<hbm>> -> memref<160x128xi32, #tpu.memory_space<hbm>>
      %dma_wait3A_38 = arith.constant 0 : i32
      %dma_wait3A_39 = tpu.memref_slice %arg4[%mul3A_14, %dma_wait3A_38] : memref<2560x128xi32, #tpu.memory_space<hbm>> -> memref<160x128xi32, #tpu.memory_space<hbm>>
      tpu.wait_dma2 semaphore(%run_scoped3A : memref<!tpu.dma_semaphore, #tpu.memory_space<semaphore_mem>>) src(%dma_wait3A_39 : memref<160x128xi32, #tpu.memory_space<hbm>>) dst(%arg8 : memref<160x128xi32, #tpu.memory_space<vmem>>)
      tpu.yield
    }) : () -> ()
    %barrier3A_15 = arith.constant 0 : index
    tpu.barrier barrier_id(%barrier3A_15)
    %scan3A = arith.constant 0 : i32
    %scan3A_16 = arith.constant 0 : i32
    %scan3A_17 = arith.constant 160 : i32
    %scan3A_18 = arith.addi %scan3A_16, %scan3A_17 : i32
    %scan3A_19 = arith.constant 1 : i32
    scf.for %scan3A_34 = %scan3A_16 to %scan3A_18 step %scan3A_19  : i32 {
      %dma_start3A = arith.constant 0 : i32
      %dma_start3A_35 = tpu.memref_slice %arg7[%scan3A_34, %dma_start3A] : memref<160x128xi32, #tpu.memory_space<vmem>> -> memref<1x128xi32, #tpu.memory_space<vmem>>
      %dma_start3A_36 = tpu.memref_squeeze %dma_start3A_35 : memref<1x128xi32, #tpu.memory_space<vmem>> -> memref<128xi32, #tpu.memory_space<vmem>>
      %dma_start3A_37 = arith.constant 0 : i32
      %dma_start3A_38 = arith.constant 0 : i32
      %dma_start3A_39 = tpu.memref_slice %arg14[%dma_start3A_37, %dma_start3A_38] : memref<10240x64xf32, #tpu.memory_space<vmem_shared>> -> memref<10240x64xf32, #tpu.memory_space<vmem_shared>>
      tpu.enqueue_indirect_dma source(%dma_start3A_39 : memref<10240x64xf32, #tpu.memory_space<vmem_shared>>) target(%arg9 : memref<128x64xf32, #tpu.memory_space<vmem>>) offsets(%dma_start3A_36 : memref<128xi32, #tpu.memory_space<vmem>>) semaphore(%arg15 : memref<!tpu.dma_semaphore, #tpu.memory_space<semaphore_mem>>)
      %dma_wait3A = arith.constant 0 : i32
      %dma_wait3A_40 = tpu.memref_slice %arg7[%scan3A_34, %dma_wait3A] : memref<160x128xi32, #tpu.memory_space<vmem>> -> memref<1x128xi32, #tpu.memory_space<vmem>>
      %dma_wait3A_41 = tpu.memref_squeeze %dma_wait3A_40 : memref<1x128xi32, #tpu.memory_space<vmem>> -> memref<128xi32, #tpu.memory_space<vmem>>
      %dma_wait3A_42 = arith.constant 0 : i32
      %dma_wait3A_43 = arith.constant 0 : i32
      %dma_wait3A_44 = tpu.memref_slice %arg14[%dma_wait3A_42, %dma_wait3A_43] : memref<10240x64xf32, #tpu.memory_space<vmem_shared>> -> memref<10240x64xf32, #tpu.memory_space<vmem_shared>>
      tpu.wait_indirect_dma semaphore(%arg15 : memref<!tpu.dma_semaphore, #tpu.memory_space<semaphore_mem>>) src(%dma_wait3A_44 : memref<10240x64xf32, #tpu.memory_space<vmem_shared>>) dst(%arg9 : memref<128x64xf32, #tpu.memory_space<vmem>>)
      "tpu.region"() ({
        %run_scoped3A = tpu.sem_alloc : memref<!tpu.dma_semaphore, #tpu.memory_space<semaphore_mem>>
        %dma_start3A_45 = arith.constant 0 : i32
        %dma_start3A_46 = tpu.memref_slice %arg8[%scan3A_34, %dma_start3A_45] : memref<160x128xi32, #tpu.memory_space<vmem>> -> memref<1x128xi32, #tpu.memory_space<vmem>>
        %dma_start3A_47 = tpu.memref_squeeze %dma_start3A_46 : memref<1x128xi32, #tpu.memory_space<vmem>> -> memref<128xi32, #tpu.memory_space<vmem>>
        %dma_start3A_48 = arith.constant 0 : i32
        %dma_start3A_49 = arith.constant 0 : i32
        %dma_start3A_50 = tpu.memref_slice %arg13[%dma_start3A_48, %dma_start3A_49] : memref<10240x64xf32, #tpu.memory_space<vmem_shared>> -> memref<10240x64xf32, #tpu.memory_space<vmem_shared>>
        tpu.enqueue_indirect_dma source(%arg9 : memref<128x64xf32, #tpu.memory_space<vmem>>) target(%dma_start3A_50 : memref<10240x64xf32, #tpu.memory_space<vmem_shared>>) offsets(%dma_start3A_47 : memref<128xi32, #tpu.memory_space<vmem>>) semaphore(%run_scoped3A : memref<!tpu.dma_semaphore, #tpu.memory_space<semaphore_mem>>) {add = true}
        %dma_wait3A_51 = arith.constant 0 : i32
        %dma_wait3A_52 = tpu.memref_slice %arg8[%scan3A_34, %dma_wait3A_51] : memref<160x128xi32, #tpu.memory_space<vmem>> -> memref<1x128xi32, #tpu.memory_space<vmem>>
        %dma_wait3A_53 = tpu.memref_squeeze %dma_wait3A_52 : memref<1x128xi32, #tpu.memory_space<vmem>> -> memref<128xi32, #tpu.memory_space<vmem>>
        %dma_wait3A_54 = arith.constant 0 : i32
        %dma_wait3A_55 = arith.constant 0 : i32
        %dma_wait3A_56 = tpu.memref_slice %arg13[%dma_wait3A_54, %dma_wait3A_55] : memref<10240x64xf32, #tpu.memory_space<vmem_shared>> -> memref<10240x64xf32, #tpu.memory_space<vmem_shared>>
        tpu.wait_indirect_dma semaphore(%run_scoped3A : memref<!tpu.dma_semaphore, #tpu.memory_space<semaphore_mem>>) src(%arg9 : memref<128x64xf32, #tpu.memory_space<vmem>>) dst(%dma_wait3A_56 : memref<10240x64xf32, #tpu.memory_space<vmem_shared>>)
        tpu.yield
      }) : () -> ()
    }
    %scan3A_20 = arith.constant 160 : i32
    %barrier3A_21 = arith.constant 0 : index
    tpu.barrier barrier_id(%barrier3A_21)
    %mul3A_22 = arith.constant 632 : i32
    %mul3A_23 = arith.muli %arg1, %mul3A_22 : i32
    %lt3A_24 = arith.constant 15 : i32
    %lt3A_25 = arith.cmpi slt, %arg1, %lt3A_24 : i32
    %convert_element_type3A_26 = arith.extui %lt3A_25 : i1 to i32
    %cond3A_27 = arith.constant 0 : i32
    %cond3A_28 = arith.cmpi ne, %convert_element_type3A_26, %cond3A_27 : i32
    scf.if %cond3A_28 {
      %mul3A_34 = arith.constant 10000 : i32
      %mul3A_35 = arith.muli %arg0, %mul3A_34 : i32
      %add3A = arith.addi %mul3A_35, %mul3A_23 : i32
      "tpu.region"() ({
        %run_scoped3A = tpu.sem_alloc : memref<!tpu.dma_semaphore, #tpu.memory_space<semaphore_mem>>
        %dma_start3A = arith.constant 0 : i32
        %dma_start3A_36 = tpu.memref_slice %arg6[%add3A, %dma_start3A] : memref<20000x64xf32, #tpu.memory_space<hbm>> -> memref<632x64xf32, #tpu.memory_space<hbm>>
        %dma_start3A_37 = arith.constant 0 : i32
        %dma_start3A_38 = tpu.memref_slice %arg13[%mul3A_23, %dma_start3A_37] : memref<10240x64xf32, #tpu.memory_space<vmem_shared>> -> memref<632x64xf32, #tpu.memory_space<vmem_shared>>
        tpu.enqueue_dma source(%dma_start3A_38 : memref<632x64xf32, #tpu.memory_space<vmem_shared>>) target(%dma_start3A_36 : memref<632x64xf32, #tpu.memory_space<hbm>>) target_semaphore(%run_scoped3A : memref<!tpu.dma_semaphore, #tpu.memory_space<semaphore_mem>>)
        %dma_wait3A = arith.constant 0 : i32
        %dma_wait3A_39 = tpu.memref_slice %arg6[%add3A, %dma_wait3A] : memref<20000x64xf32, #tpu.memory_space<hbm>> -> memref<632x64xf32, #tpu.memory_space<hbm>>
        %dma_wait3A_40 = arith.constant 0 : i32
        %dma_wait3A_41 = tpu.memref_slice %arg13[%mul3A_23, %dma_wait3A_40] : memref<10240x64xf32, #tpu.memory_space<vmem_shared>> -> memref<632x64xf32, #tpu.memory_space<vmem_shared>>
        tpu.wait_dma2 semaphore(%run_scoped3A : memref<!tpu.dma_semaphore, #tpu.memory_space<semaphore_mem>>) src(%dma_wait3A_41 : memref<632x64xf32, #tpu.memory_space<vmem_shared>>) dst(%dma_wait3A_39 : memref<632x64xf32, #tpu.memory_space<hbm>>)
        tpu.yield
      }) : () -> ()
    } else {
    }
    %eq3A_29 = arith.constant 15 : i32
    %eq3A_30 = arith.cmpi eq, %arg1, %eq3A_29 : i32
    %convert_element_type3A_31 = arith.extui %eq3A_30 : i1 to i32
    %cond3A_32 = arith.constant 0 : i32
    %cond3A_33 = arith.cmpi ne, %convert_element_type3A_31, %cond3A_32 : i32
    scf.if %cond3A_33 {
      %mul3A_34 = arith.constant 10000 : i32
      %mul3A_35 = arith.muli %arg0, %mul3A_34 : i32
      %add3A = arith.constant 9480 : i32
      %add3A_36 = arith.addi %mul3A_35, %add3A : i32
      "tpu.region"() ({
        %run_scoped3A = tpu.sem_alloc : memref<!tpu.dma_semaphore, #tpu.memory_space<semaphore_mem>>
        %dma_start3A = arith.constant 0 : i32
        %dma_start3A_37 = tpu.memref_slice %arg6[%add3A_36, %dma_start3A] : memref<20000x64xf32, #tpu.memory_space<hbm>> -> memref<520x64xf32, #tpu.memory_space<hbm>>
        %dma_start3A_38 = arith.constant 9480 : i32
        %dma_start3A_39 = arith.constant 0 : i32
        %dma_start3A_40 = tpu.memref_slice %arg13[%dma_start3A_38, %dma_start3A_39] : memref<10240x64xf32, #tpu.memory_space<vmem_shared>> -> memref<520x64xf32, #tpu.memory_space<vmem_shared>>
        tpu.enqueue_dma source(%dma_start3A_40 : memref<520x64xf32, #tpu.memory_space<vmem_shared>>) target(%dma_start3A_37 : memref<520x64xf32, #tpu.memory_space<hbm>>) target_semaphore(%run_scoped3A : memref<!tpu.dma_semaphore, #tpu.memory_space<semaphore_mem>>)
        %dma_wait3A = arith.constant 0 : i32
        %dma_wait3A_41 = tpu.memref_slice %arg6[%add3A_36, %dma_wait3A] : memref<20000x64xf32, #tpu.memory_space<hbm>> -> memref<520x64xf32, #tpu.memory_space<hbm>>
        %dma_wait3A_42 = arith.constant 9480 : i32
        %dma_wait3A_43 = arith.constant 0 : i32
        %dma_wait3A_44 = tpu.memref_slice %arg13[%dma_wait3A_42, %dma_wait3A_43] : memref<10240x64xf32, #tpu.memory_space<vmem_shared>> -> memref<520x64xf32, #tpu.memory_space<vmem_shared>>
        tpu.wait_dma2 semaphore(%run_scoped3A : memref<!tpu.dma_semaphore, #tpu.memory_space<semaphore_mem>>) src(%dma_wait3A_44 : memref<520x64xf32, #tpu.memory_space<vmem_shared>>) dst(%dma_wait3A_41 : memref<520x64xf32, #tpu.memory_space<hbm>>)
        tpu.yield
      }) : () -> ()
    } else {
    }
    return
  }
}

#map = affine_map<(d0, d1) -> (0, 0)>
module attributes {stable_mosaic.version = 14 : i64} {
  func.func @_seg_sum_kernel(%arg0: i32, %arg1: i32, %arg2: memref<20000x64xf32, #tpu.memory_space<hbm>>, %arg3: memref<2560x128xi32, #tpu.memory_space<hbm>>, %arg4: memref<2560x128xi32, #tpu.memory_space<hbm>>, %arg5: memref<10240x64xf32, #tpu.memory_space<hbm>>, %arg6: memref<20000x64xf32, #tpu.memory_space<hbm>>, %arg7: memref<160x128xi32, #tpu.memory_space<vmem>>, %arg8: memref<160x128xi32, #tpu.memory_space<vmem>>, %arg9: memref<128x64xf32, #tpu.memory_space<vmem>>, %arg10: memref<128x64xf32, #tpu.memory_space<vmem>>, %arg11: memref<128x64xf32, #tpu.memory_space<vmem>>, %arg12: memref<128x64xf32, #tpu.memory_space<vmem>>, %arg13: memref<10240x64xf32, #tpu.memory_space<vmem_shared>>, %arg14: memref<10240x64xf32, #tpu.memory_space<vmem_shared>>, %arg15: memref<!tpu.dma_semaphore, #tpu.memory_space<semaphore_mem>>, %arg16: memref<!tpu.dma_semaphore, #tpu.memory_space<semaphore_mem>>, %arg17: memref<!tpu.dma_semaphore, #tpu.memory_space<semaphore_mem>>, %arg18: memref<!tpu.dma_semaphore, #tpu.memory_space<semaphore_mem>>, %arg19: memref<!tpu.dma_semaphore, #tpu.memory_space<semaphore_mem>>, %arg20: memref<!tpu.dma_semaphore, #tpu.memory_space<semaphore_mem>>, %arg21: memref<!tpu.dma_semaphore, #tpu.memory_space<semaphore_mem>>, %arg22: memref<!tpu.dma_semaphore, #tpu.memory_space<semaphore_mem>>) attributes {dimension_semantics = [#tpu.dimension_semantics<core_parallel>, #tpu.dimension_semantics<subcore_parallel>], iteration_bounds = array<i64: 2, 16>, scalar_prefetch = 0 : i64, scratch_operands = 16 : i64, tpu.core_type = #tpu.core_type<sc_vector_subcore>, window_params = [{transform_indices = #map}, {transform_indices = #map}, {transform_indices = #map}, {transform_indices = #map}, {transform_indices = #map}]} {
    %mul3A = arith.constant 640 : i32
    %mul3A_0 = arith.muli %arg1, %mul3A : i32
    %mul3A_1 = arith.constant 640 : i32
    %mul3A_2 = arith.muli %arg1, %mul3A_1 : i32
    "tpu.region"() ({
      %run_scoped3A = tpu.sem_alloc : memref<!tpu.dma_semaphore, #tpu.memory_space<semaphore_mem>>
      %dma_start3A = arith.constant 0 : i32
      %dma_start3A_34 = tpu.memref_slice %arg13[%mul3A_2, %dma_start3A] : memref<10240x64xf32, #tpu.memory_space<vmem_shared>> -> memref<640x64xf32, #tpu.memory_space<vmem_shared>>
      %dma_start3A_35 = arith.constant 0 : i32
      %dma_start3A_36 = tpu.memref_slice %arg5[%mul3A_0, %dma_start3A_35] : memref<10240x64xf32, #tpu.memory_space<hbm>> -> memref<640x64xf32, #tpu.memory_space<hbm>>
      tpu.enqueue_dma source(%dma_start3A_36 : memref<640x64xf32, #tpu.memory_space<hbm>>) target(%dma_start3A_34 : memref<640x64xf32, #tpu.memory_space<vmem_shared>>) target_semaphore(%run_scoped3A : memref<!tpu.dma_semaphore, #tpu.memory_space<semaphore_mem>>)
      %dma_wait3A = arith.constant 0 : i32
      %dma_wait3A_37 = tpu.memref_slice %arg13[%mul3A_2, %dma_wait3A] : memref<10240x64xf32, #tpu.memory_space<vmem_shared>> -> memref<640x64xf32, #tpu.memory_space<vmem_shared>>
      %dma_wait3A_38 = arith.constant 0 : i32
      %dma_wait3A_39 = tpu.memref_slice %arg5[%mul3A_0, %dma_wait3A_38] : memref<10240x64xf32, #tpu.memory_space<hbm>> -> memref<640x64xf32, #tpu.memory_space<hbm>>
      tpu.wait_dma2 semaphore(%run_scoped3A : memref<!tpu.dma_semaphore, #tpu.memory_space<semaphore_mem>>) src(%dma_wait3A_39 : memref<640x64xf32, #tpu.memory_space<hbm>>) dst(%dma_wait3A_37 : memref<640x64xf32, #tpu.memory_space<vmem_shared>>)
      tpu.yield
    }) : () -> ()
    %barrier3A = arith.constant 0 : index
    tpu.barrier barrier_id(%barrier3A)
    %mul3A_3 = arith.constant 632 : i32
    %mul3A_4 = arith.muli %arg1, %mul3A_3 : i32
    %lt3A = arith.constant 15 : i32
    %lt3A_5 = arith.cmpi slt, %arg1, %lt3A : i32
    %convert_element_type3A = arith.extui %lt3A_5 : i1 to i32
    %cond3A = arith.constant 0 : i32
    %cond3A_6 = arith.cmpi ne, %convert_element_type3A, %cond3A : i32
    scf.if %cond3A_6 {
      %mul3A_34 = arith.constant 10000 : i32
      %mul3A_35 = arith.muli %arg0, %mul3A_34 : i32
      %add3A = arith.addi %mul3A_35, %mul3A_4 : i32
      "tpu.region"() ({
        %run_scoped3A = tpu.sem_alloc : memref<!tpu.dma_semaphore, #tpu.memory_space<semaphore_mem>>
        %dma_start3A = arith.constant 0 : i32
        %dma_start3A_36 = tpu.memref_slice %arg14[%mul3A_4, %dma_start3A] : memref<10240x64xf32, #tpu.memory_space<vmem_shared>> -> memref<632x64xf32, #tpu.memory_space<vmem_shared>>
        %dma_start3A_37 = arith.constant 0 : i32
        %dma_start3A_38 = tpu.memref_slice %arg2[%add3A, %dma_start3A_37] : memref<20000x64xf32, #tpu.memory_space<hbm>> -> memref<632x64xf32, #tpu.memory_space<hbm>>
        tpu.enqueue_dma source(%dma_start3A_38 : memref<632x64xf32, #tpu.memory_space<hbm>>) target(%dma_start3A_36 : memref<632x64xf32, #tpu.memory_space<vmem_shared>>) target_semaphore(%run_scoped3A : memref<!tpu.dma_semaphore, #tpu.memory_space<semaphore_mem>>)
        %dma_wait3A = arith.constant 0 : i32
        %dma_wait3A_39 = tpu.memref_slice %arg14[%mul3A_4, %dma_wait3A] : memref<10240x64xf32, #tpu.memory_space<vmem_shared>> -> memref<632x64xf32, #tpu.memory_space<vmem_shared>>
        %dma_wait3A_40 = arith.constant 0 : i32
        %dma_wait3A_41 = tpu.memref_slice %arg2[%add3A, %dma_wait3A_40] : memref<20000x64xf32, #tpu.memory_space<hbm>> -> memref<632x64xf32, #tpu.memory_space<hbm>>
        tpu.wait_dma2 semaphore(%run_scoped3A : memref<!tpu.dma_semaphore, #tpu.memory_space<semaphore_mem>>) src(%dma_wait3A_41 : memref<632x64xf32, #tpu.memory_space<hbm>>) dst(%dma_wait3A_39 : memref<632x64xf32, #tpu.memory_space<vmem_shared>>)
        tpu.yield
      }) : () -> ()
    } else {
    }
    %eq3A = arith.constant 15 : i32
    %eq3A_7 = arith.cmpi eq, %arg1, %eq3A : i32
    %convert_element_type3A_8 = arith.extui %eq3A_7 : i1 to i32
    %cond3A_9 = arith.constant 0 : i32
    %cond3A_10 = arith.cmpi ne, %convert_element_type3A_8, %cond3A_9 : i32
    scf.if %cond3A_10 {
      %mul3A_34 = arith.constant 10000 : i32
      %mul3A_35 = arith.muli %arg0, %mul3A_34 : i32
      %add3A = arith.constant 9480 : i32
      %add3A_36 = arith.addi %mul3A_35, %add3A : i32
      "tpu.region"() ({
        %run_scoped3A = tpu.sem_alloc : memref<!tpu.dma_semaphore, #tpu.memory_space<semaphore_mem>>
        %dma_start3A = arith.constant 9480 : i32
        %dma_start3A_37 = arith.constant 0 : i32
        %dma_start3A_38 = tpu.memref_slice %arg14[%dma_start3A, %dma_start3A_37] : memref<10240x64xf32, #tpu.memory_space<vmem_shared>> -> memref<520x64xf32, #tpu.memory_space<vmem_shared>>
        %dma_start3A_39 = arith.constant 0 : i32
        %dma_start3A_40 = tpu.memref_slice %arg2[%add3A_36, %dma_start3A_39] : memref<20000x64xf32, #tpu.memory_space<hbm>> -> memref<520x64xf32, #tpu.memory_space<hbm>>
        tpu.enqueue_dma source(%dma_start3A_40 : memref<520x64xf32, #tpu.memory_space<hbm>>) target(%dma_start3A_38 : memref<520x64xf32, #tpu.memory_space<vmem_shared>>) target_semaphore(%run_scoped3A : memref<!tpu.dma_semaphore, #tpu.memory_space<semaphore_mem>>)
        %dma_wait3A = arith.constant 9480 : i32
        %dma_wait3A_41 = arith.constant 0 : i32
        %dma_wait3A_42 = tpu.memref_slice %arg14[%dma_wait3A, %dma_wait3A_41] : memref<10240x64xf32, #tpu.memory_space<vmem_shared>> -> memref<520x64xf32, #tpu.memory_space<vmem_shared>>
        %dma_wait3A_43 = arith.constant 0 : i32
        %dma_wait3A_44 = tpu.memref_slice %arg2[%add3A_36, %dma_wait3A_43] : memref<20000x64xf32, #tpu.memory_space<hbm>> -> memref<520x64xf32, #tpu.memory_space<hbm>>
        tpu.wait_dma2 semaphore(%run_scoped3A : memref<!tpu.dma_semaphore, #tpu.memory_space<semaphore_mem>>) src(%dma_wait3A_44 : memref<520x64xf32, #tpu.memory_space<hbm>>) dst(%dma_wait3A_42 : memref<520x64xf32, #tpu.memory_space<vmem_shared>>)
        tpu.yield
      }) : () -> ()
    } else {
    }
    %mul3A_11 = arith.constant 160 : i32
    %mul3A_12 = arith.muli %arg1, %mul3A_11 : i32
    "tpu.region"() ({
      %run_scoped3A = tpu.sem_alloc : memref<!tpu.dma_semaphore, #tpu.memory_space<semaphore_mem>>
      %dma_start3A = arith.constant 0 : i32
      %dma_start3A_34 = tpu.memref_slice %arg3[%mul3A_12, %dma_start3A] : memref<2560x128xi32, #tpu.memory_space<hbm>> -> memref<160x128xi32, #tpu.memory_space<hbm>>
      %dma_start3A_35 = arith.constant 0 : i32
      %dma_start3A_36 = tpu.memref_slice %arg3[%mul3A_12, %dma_start3A_35] : memref<2560x128xi32, #tpu.memory_space<hbm>> -> memref<160x128xi32, #tpu.memory_space<hbm>>
      tpu.enqueue_dma source(%dma_start3A_36 : memref<160x128xi32, #tpu.memory_space<hbm>>) target(%arg7 : memref<160x128xi32, #tpu.memory_space<vmem>>) target_semaphore(%run_scoped3A : memref<!tpu.dma_semaphore, #tpu.memory_space<semaphore_mem>>)
      %dma_wait3A = arith.constant 0 : i32
      %dma_wait3A_37 = tpu.memref_slice %arg3[%mul3A_12, %dma_wait3A] : memref<2560x128xi32, #tpu.memory_space<hbm>> -> memref<160x128xi32, #tpu.memory_space<hbm>>
      %dma_wait3A_38 = arith.constant 0 : i32
      %dma_wait3A_39 = tpu.memref_slice %arg3[%mul3A_12, %dma_wait3A_38] : memref<2560x128xi32, #tpu.memory_space<hbm>> -> memref<160x128xi32, #tpu.memory_space<hbm>>
      tpu.wait_dma2 semaphore(%run_scoped3A : memref<!tpu.dma_semaphore, #tpu.memory_space<semaphore_mem>>) src(%dma_wait3A_39 : memref<160x128xi32, #tpu.memory_space<hbm>>) dst(%arg7 : memref<160x128xi32, #tpu.memory_space<vmem>>)
      tpu.yield
    }) : () -> ()
    %mul3A_13 = arith.constant 160 : i32
    %mul3A_14 = arith.muli %arg1, %mul3A_13 : i32
    "tpu.region"() ({
      %run_scoped3A = tpu.sem_alloc : memref<!tpu.dma_semaphore, #tpu.memory_space<semaphore_mem>>
      %dma_start3A = arith.constant 0 : i32
      %dma_start3A_34 = tpu.memref_slice %arg4[%mul3A_14, %dma_start3A] : memref<2560x128xi32, #tpu.memory_space<hbm>> -> memref<160x128xi32, #tpu.memory_space<hbm>>
      %dma_start3A_35 = arith.constant 0 : i32
      %dma_start3A_36 = tpu.memref_slice %arg4[%mul3A_14, %dma_start3A_35] : memref<2560x128xi32, #tpu.memory_space<hbm>> -> memref<160x128xi32, #tpu.memory_space<hbm>>
      tpu.enqueue_dma source(%dma_start3A_36 : memref<160x128xi32, #tpu.memory_space<hbm>>) target(%arg8 : memref<160x128xi32, #tpu.memory_space<vmem>>) target_semaphore(%run_scoped3A : memref<!tpu.dma_semaphore, #tpu.memory_space<semaphore_mem>>)
      %dma_wait3A = arith.constant 0 : i32
      %dma_wait3A_37 = tpu.memref_slice %arg4[%mul3A_14, %dma_wait3A] : memref<2560x128xi32, #tpu.memory_space<hbm>> -> memref<160x128xi32, #tpu.memory_space<hbm>>
      %dma_wait3A_38 = arith.constant 0 : i32
      %dma_wait3A_39 = tpu.memref_slice %arg4[%mul3A_14, %dma_wait3A_38] : memref<2560x128xi32, #tpu.memory_space<hbm>> -> memref<160x128xi32, #tpu.memory_space<hbm>>
      tpu.wait_dma2 semaphore(%run_scoped3A : memref<!tpu.dma_semaphore, #tpu.memory_space<semaphore_mem>>) src(%dma_wait3A_39 : memref<160x128xi32, #tpu.memory_space<hbm>>) dst(%arg8 : memref<160x128xi32, #tpu.memory_space<vmem>>)
      tpu.yield
    }) : () -> ()
    %barrier3A_15 = arith.constant 0 : index
    tpu.barrier barrier_id(%barrier3A_15)
    %scan3A = arith.constant 0 : i32
    %scan3A_16 = arith.constant 0 : i32
    %scan3A_17 = arith.constant 160 : i32
    %scan3A_18 = arith.addi %scan3A_16, %scan3A_17 : i32
    %scan3A_19 = arith.constant 1 : i32
    scf.for %scan3A_34 = %scan3A_16 to %scan3A_18 step %scan3A_19  : i32 {
      %dma_start3A = arith.constant 0 : i32
      %dma_start3A_35 = tpu.memref_slice %arg7[%scan3A_34, %dma_start3A] : memref<160x128xi32, #tpu.memory_space<vmem>> -> memref<1x128xi32, #tpu.memory_space<vmem>>
      %dma_start3A_36 = tpu.memref_squeeze %dma_start3A_35 : memref<1x128xi32, #tpu.memory_space<vmem>> -> memref<128xi32, #tpu.memory_space<vmem>>
      %dma_start3A_37 = arith.constant 0 : i32
      %dma_start3A_38 = arith.constant 0 : i32
      %dma_start3A_39 = tpu.memref_slice %arg14[%dma_start3A_37, %dma_start3A_38] : memref<10240x64xf32, #tpu.memory_space<vmem_shared>> -> memref<10240x64xf32, #tpu.memory_space<vmem_shared>>
      tpu.enqueue_indirect_dma source(%dma_start3A_39 : memref<10240x64xf32, #tpu.memory_space<vmem_shared>>) target(%arg9 : memref<128x64xf32, #tpu.memory_space<vmem>>) offsets(%dma_start3A_36 : memref<128xi32, #tpu.memory_space<vmem>>) semaphore(%arg15 : memref<!tpu.dma_semaphore, #tpu.memory_space<semaphore_mem>>)
      %dma_wait3A = arith.constant 0 : i32
      %dma_wait3A_40 = tpu.memref_slice %arg7[%scan3A_34, %dma_wait3A] : memref<160x128xi32, #tpu.memory_space<vmem>> -> memref<1x128xi32, #tpu.memory_space<vmem>>
      %dma_wait3A_41 = tpu.memref_squeeze %dma_wait3A_40 : memref<1x128xi32, #tpu.memory_space<vmem>> -> memref<128xi32, #tpu.memory_space<vmem>>
      %dma_wait3A_42 = arith.constant 0 : i32
      %dma_wait3A_43 = arith.constant 0 : i32
      %dma_wait3A_44 = tpu.memref_slice %arg14[%dma_wait3A_42, %dma_wait3A_43] : memref<10240x64xf32, #tpu.memory_space<vmem_shared>> -> memref<10240x64xf32, #tpu.memory_space<vmem_shared>>
      tpu.wait_indirect_dma semaphore(%arg15 : memref<!tpu.dma_semaphore, #tpu.memory_space<semaphore_mem>>) src(%dma_wait3A_44 : memref<10240x64xf32, #tpu.memory_space<vmem_shared>>) dst(%arg9 : memref<128x64xf32, #tpu.memory_space<vmem>>)
      "tpu.region"() ({
        %run_scoped3A = tpu.sem_alloc : memref<!tpu.dma_semaphore, #tpu.memory_space<semaphore_mem>>
        %dma_start3A_45 = arith.constant 0 : i32
        %dma_start3A_46 = tpu.memref_slice %arg8[%scan3A_34, %dma_start3A_45] : memref<160x128xi32, #tpu.memory_space<vmem>> -> memref<1x128xi32, #tpu.memory_space<vmem>>
        %dma_start3A_47 = tpu.memref_squeeze %dma_start3A_46 : memref<1x128xi32, #tpu.memory_space<vmem>> -> memref<128xi32, #tpu.memory_space<vmem>>
        %dma_start3A_48 = arith.constant 0 : i32
        %dma_start3A_49 = arith.constant 0 : i32
        %dma_start3A_50 = tpu.memref_slice %arg13[%dma_start3A_48, %dma_start3A_49] : memref<10240x64xf32, #tpu.memory_space<vmem_shared>> -> memref<10240x64xf32, #tpu.memory_space<vmem_shared>>
        tpu.enqueue_indirect_dma source(%arg9 : memref<128x64xf32, #tpu.memory_space<vmem>>) target(%dma_start3A_50 : memref<10240x64xf32, #tpu.memory_space<vmem_shared>>) offsets(%dma_start3A_47 : memref<128xi32, #tpu.memory_space<vmem>>) semaphore(%run_scoped3A : memref<!tpu.dma_semaphore, #tpu.memory_space<semaphore_mem>>) {add = true}
        %dma_wait3A_51 = arith.constant 0 : i32
        %dma_wait3A_52 = tpu.memref_slice %arg8[%scan3A_34, %dma_wait3A_51] : memref<160x128xi32, #tpu.memory_space<vmem>> -> memref<1x128xi32, #tpu.memory_space<vmem>>
        %dma_wait3A_53 = tpu.memref_squeeze %dma_wait3A_52 : memref<1x128xi32, #tpu.memory_space<vmem>> -> memref<128xi32, #tpu.memory_space<vmem>>
        %dma_wait3A_54 = arith.constant 0 : i32
        %dma_wait3A_55 = arith.constant 0 : i32
        %dma_wait3A_56 = tpu.memref_slice %arg13[%dma_wait3A_54, %dma_wait3A_55] : memref<10240x64xf32, #tpu.memory_space<vmem_shared>> -> memref<10240x64xf32, #tpu.memory_space<vmem_shared>>
        tpu.wait_indirect_dma semaphore(%run_scoped3A : memref<!tpu.dma_semaphore, #tpu.memory_space<semaphore_mem>>) src(%arg9 : memref<128x64xf32, #tpu.memory_space<vmem>>) dst(%dma_wait3A_56 : memref<10240x64xf32, #tpu.memory_space<vmem_shared>>)
        tpu.yield
      }) : () -> ()
    }
    %scan3A_20 = arith.constant 160 : i32
    %barrier3A_21 = arith.constant 0 : index
    tpu.barrier barrier_id(%barrier3A_21)
    %mul3A_22 = arith.constant 632 : i32
    %mul3A_23 = arith.muli %arg1, %mul3A_22 : i32
    %lt3A_24 = arith.constant 15 : i32
    %lt3A_25 = arith.cmpi slt, %arg1, %lt3A_24 : i32
    %convert_element_type3A_26 = arith.extui %lt3A_25 : i1 to i32
    %cond3A_27 = arith.constant 0 : i32
    %cond3A_28 = arith.cmpi ne, %convert_element_type3A_26, %cond3A_27 : i32
    scf.if %cond3A_28 {
      %mul3A_34 = arith.constant 10000 : i32
      %mul3A_35 = arith.muli %arg0, %mul3A_34 : i32
      %add3A = arith.addi %mul3A_35, %mul3A_23 : i32
      "tpu.region"() ({
        %run_scoped3A = tpu.sem_alloc : memref<!tpu.dma_semaphore, #tpu.memory_space<semaphore_mem>>
        %dma_start3A = arith.constant 0 : i32
        %dma_start3A_36 = tpu.memref_slice %arg6[%add3A, %dma_start3A] : memref<20000x64xf32, #tpu.memory_space<hbm>> -> memref<632x64xf32, #tpu.memory_space<hbm>>
        %dma_start3A_37 = arith.constant 0 : i32
        %dma_start3A_38 = tpu.memref_slice %arg13[%mul3A_23, %dma_start3A_37] : memref<10240x64xf32, #tpu.memory_space<vmem_shared>> -> memref<632x64xf32, #tpu.memory_space<vmem_shared>>
        tpu.enqueue_dma source(%dma_start3A_38 : memref<632x64xf32, #tpu.memory_space<vmem_shared>>) target(%dma_start3A_36 : memref<632x64xf32, #tpu.memory_space<hbm>>) target_semaphore(%run_scoped3A : memref<!tpu.dma_semaphore, #tpu.memory_space<semaphore_mem>>)
        %dma_wait3A = arith.constant 0 : i32
        %dma_wait3A_39 = tpu.memref_slice %arg6[%add3A, %dma_wait3A] : memref<20000x64xf32, #tpu.memory_space<hbm>> -> memref<632x64xf32, #tpu.memory_space<hbm>>
        %dma_wait3A_40 = arith.constant 0 : i32
        %dma_wait3A_41 = tpu.memref_slice %arg13[%mul3A_23, %dma_wait3A_40] : memref<10240x64xf32, #tpu.memory_space<vmem_shared>> -> memref<632x64xf32, #tpu.memory_space<vmem_shared>>
        tpu.wait_dma2 semaphore(%run_scoped3A : memref<!tpu.dma_semaphore, #tpu.memory_space<semaphore_mem>>) src(%dma_wait3A_41 : memref<632x64xf32, #tpu.memory_space<vmem_shared>>) dst(%dma_wait3A_39 : memref<632x64xf32, #tpu.memory_space<hbm>>)
        tpu.yield
      }) : () -> ()
    } else {
    }
    %eq3A_29 = arith.constant 15 : i32
    %eq3A_30 = arith.cmpi eq, %arg1, %eq3A_29 : i32
    %convert_element_type3A_31 = arith.extui %eq3A_30 : i1 to i32
    %cond3A_32 = arith.constant 0 : i32
    %cond3A_33 = arith.cmpi ne, %convert_element_type3A_31, %cond3A_32 : i32
    scf.if %cond3A_33 {
      %mul3A_34 = arith.constant 10000 : i32
      %mul3A_35 = arith.muli %arg0, %mul3A_34 : i32
      %add3A = arith.constant 9480 : i32
      %add3A_36 = arith.addi %mul3A_35, %add3A : i32
      "tpu.region"() ({
        %run_scoped3A = tpu.sem_alloc : memref<!tpu.dma_semaphore, #tpu.memory_space<semaphore_mem>>
        %dma_start3A = arith.constant 0 : i32
        %dma_start3A_37 = tpu.memref_slice %arg6[%add3A_36, %dma_start3A] : memref<20000x64xf32, #tpu.memory_space<hbm>> -> memref<520x64xf32, #tpu.memory_space<hbm>>
        %dma_start3A_38 = arith.constant 9480 : i32
        %dma_start3A_39 = arith.constant 0 : i32
        %dma_start3A_40 = tpu.memref_slice %arg13[%dma_start3A_38, %dma_start3A_39] : memref<10240x64xf32, #tpu.memory_space<vmem_shared>> -> memref<520x64xf32, #tpu.memory_space<vmem_shared>>
        tpu.enqueue_dma source(%dma_start3A_40 : memref<520x64xf32, #tpu.memory_space<vmem_shared>>) target(%dma_start3A_37 : memref<520x64xf32, #tpu.memory_space<hbm>>) target_semaphore(%run_scoped3A : memref<!tpu.dma_semaphore, #tpu.memory_space<semaphore_mem>>)
        %dma_wait3A = arith.constant 0 : i32
        %dma_wait3A_41 = tpu.memref_slice %arg6[%add3A_36, %dma_wait3A] : memref<20000x64xf32, #tpu.memory_space<hbm>> -> memref<520x64xf32, #tpu.memory_space<hbm>>
        %dma_wait3A_42 = arith.constant 9480 : i32
        %dma_wait3A_43 = arith.constant 0 : i32
        %dma_wait3A_44 = tpu.memref_slice %arg13[%dma_wait3A_42, %dma_wait3A_43] : memref<10240x64xf32, #tpu.memory_space<vmem_shared>> -> memref<520x64xf32, #tpu.memory_space<vmem_shared>>
        tpu.wait_dma2 semaphore(%run_scoped3A : memref<!tpu.dma_semaphore, #tpu.memory_space<semaphore_mem>>) src(%dma_wait3A_44 : memref<520x64xf32, #tpu.memory_space<vmem_shared>>) dst(%dma_wait3A_41 : memref<520x64xf32, #tpu.memory_space<hbm>>)
        tpu.yield
      }) : () -> ()
    } else {
    }
    return
  }
}

module attributes {stable_mosaic.version = 14 : i64} {
  func.func @_mm_relu_kernel(%arg0: i32, %arg1: i32, %arg2: memref<2000x128xf32, #tpu.memory_space<vmem>>, %arg3: memref<128x128xf32, #tpu.memory_space<vmem>>, %arg4: memref<1x128xf32, #tpu.memory_space<vmem>>, %arg5: memref<2000x64xf32, #tpu.memory_space<vmem>>) attributes {dimension_semantics = [#tpu.dimension_semantics<arbitrary>, #tpu.dimension_semantics<arbitrary>], iteration_bounds = array<i64: 2, 5>, scalar_prefetch = 0 : i64, scratch_operands = 0 : i64, tpu.core_type = #tpu.core_type<tc>, window_params = [{transform_indices = @transform_0, window_bounds = array<i64: 2000, 128>}, {pipeline_mode = #tpu.pipeline_mode<synchronous>, transform_indices = @transform_1, window_bounds = array<i64: 128, 128>}, {pipeline_mode = #tpu.pipeline_mode<synchronous>, transform_indices = @transform_2, window_bounds = array<i64: 1, 128>}, {transform_indices = @transform_3, window_bounds = array<i64: 2000, 64>}]} {
    %get3A = arith.constant 0 : index
    %get3A_0 = arith.constant 0 : index
    %get3A_1 = vector.load %arg2[%get3A, %get3A_0] : memref<2000x128xf32, #tpu.memory_space<vmem>>, vector<2000x128xf32>
    %get3A_2 = arith.constant 0 : index
    %get3A_3 = arith.constant 0 : index
    %get3A_4 = vector.load %arg3[%get3A_2, %get3A_3] : memref<128x128xf32, #tpu.memory_space<vmem>>, vector<128x128xf32>
    %dot_general3A = arith.constant dense<0.000000e+00> : vector<2000x128xf32>
    %dot_general3A_5 = tpu.matmul %get3A_1, %get3A_4, %dot_general3A {dimension_numbers = #tpu.dot_dimension_numbers<[1], [0], [0], [1], [0, 0, 1, 1], [], []>, precision = #tpu.contract_precision<fp32>, transpose_lhs_hint = false} : vector<2000x128xf32>, vector<128x128xf32>, vector<2000x128xf32> -> vector<2000x128xf32>
    %get3A_6 = arith.constant 0 : index
    %get3A_7 = arith.constant 0 : index
    %get3A_8 = vector.load %arg4[%get3A_6, %get3A_7] : memref<1x128xf32, #tpu.memory_space<vmem>>, vector<1x128xf32>
    %add3A = vector.broadcast %get3A_8 : vector<1x128xf32> to vector<2000x128xf32>
    %add3A_9 = arith.addf %dot_general3A_5, %add3A : vector<2000x128xf32>
    %max3A = arith.constant 0.000000e+00 : f32
    %max3A_10 = vector.broadcast %max3A : f32 to vector<2000x128xf32>
    %max3A_11 = arith.maximumf %add3A_9, %max3A_10 : vector<2000x128xf32>
    %eq3A = arith.constant 0 : i32
    %eq3A_12 = arith.cmpi eq, %arg0, %eq3A : i32
    %convert_element_type3A = arith.extui %eq3A_12 : i1 to i32
    %cond3A = arith.constant 0 : i32
    %cond3A_13 = arith.cmpi ne, %convert_element_type3A, %cond3A : i32
    scf.if %cond3A_13 {
      %slice3A = vector.extract_strided_slice %max3A_11 {offsets = [0, 0], sizes = [2000, 64], strides = [1, 1]} : vector<2000x128xf32> to vector<2000x64xf32>
      %swap3A = arith.constant 0 : index
      %swap3A_19 = arith.constant 0 : index
      %swap3A_20 = vector.load %arg5[%swap3A, %swap3A_19] : memref<2000x64xf32, #tpu.memory_space<vmem>>, vector<2000x64xf32>
      tpu.vector_store %arg5[%swap3A, %swap3A_19], %slice3A {strides = array<i32>} : memref<2000x64xf32, #tpu.memory_space<vmem>>, vector<2000x64xf32>,
    } else {
    }
    %eq3A_14 = arith.constant 1 : i32
    %eq3A_15 = arith.cmpi eq, %arg0, %eq3A_14 : i32
    %convert_element_type3A_16 = arith.extui %eq3A_15 : i1 to i32
    %cond3A_17 = arith.constant 0 : i32
    %cond3A_18 = arith.cmpi ne, %convert_element_type3A_16, %cond3A_17 : i32
    scf.if %cond3A_18 {
      %slice3A = vector.extract_strided_slice %max3A_11 {offsets = [0, 64], sizes = [2000, 64], strides = [1, 1]} : vector<2000x128xf32> to vector<2000x64xf32>
      %swap3A = arith.constant 0 : index
      %swap3A_19 = arith.constant 0 : index
      %swap3A_20 = vector.load %arg5[%swap3A, %swap3A_19] : memref<2000x64xf32, #tpu.memory_space<vmem>>, vector<2000x64xf32>
      tpu.vector_store %arg5[%swap3A, %swap3A_19], %slice3A {strides = array<i32>} : memref<2000x64xf32, #tpu.memory_space<vmem>>, vector<2000x64xf32>,
    } else {
    }
    return
  }
  func.func @transform_0(%arg0: i32, %arg1: i32) -> (i32, i32) {
    %c0_i32 = arith.constant 0 : i32
    %c0_i32_0 = arith.constant 0 : i32
    return %arg1, %c0_i32 : i32, i32
  }
  func.func @transform_1(%arg0: i32, %arg1: i32) -> (i32, i32) {
    %c0_i32 = arith.constant 0 : i32
    %c0_i32_0 = arith.constant 0 : i32
    %c0_i32_1 = arith.constant 0 : i32
    return %c0_i32, %c0_i32_0 : i32, i32
  }
  func.func @transform_2(%arg0: i32, %arg1: i32) -> (i32, i32) {
    %c0_i32 = arith.constant 0 : i32
    %c0_i32_0 = arith.constant 0 : i32
    %c0_i32_1 = arith.constant 0 : i32
    return %c0_i32, %c0_i32_0 : i32, i32
  }
  func.func @transform_3(%arg0: i32, %arg1: i32) -> (i32, i32) {
    %mul3A = arith.constant 5 : i32
    %mul3A_0 = arith.muli %arg0, %mul3A : i32
    %add3A = arith.addi %mul3A_0, %arg1 : i32
    %c0_i32 = arith.constant 0 : i32
    %c0_i32_1 = arith.constant 0 : i32
    return %add3A, %c0_i32 : i32, i32
  }
}

module attributes {stable_mosaic.version = 14 : i64} {
  func.func @_gin_mm_kernel(%arg0: i32, %arg1: i32, %arg2: memref<2000x64xf32, #tpu.memory_space<vmem>>, %arg3: memref<2000x64xf32, #tpu.memory_space<vmem>>, %arg4: memref<2000x64xf32, #tpu.memory_space<vmem>>, %arg5: memref<2000x64xf32, #tpu.memory_space<vmem>>, %arg6: memref<128x128xf32, #tpu.memory_space<vmem>>, %arg7: memref<1x128xf32, #tpu.memory_space<vmem>>, %arg8: memref<2000x64xf32, #tpu.memory_space<vmem>>) attributes {dimension_semantics = [#tpu.dimension_semantics<arbitrary>, #tpu.dimension_semantics<arbitrary>], iteration_bounds = array<i64: 2, 5>, scalar_prefetch = 0 : i64, scratch_operands = 0 : i64, tpu.core_type = #tpu.core_type<tc>, window_params = [{transform_indices = @transform_0, window_bounds = array<i64: 2000, 64>}, {transform_indices = @transform_1, window_bounds = array<i64: 2000, 64>}, {transform_indices = @transform_2, window_bounds = array<i64: 2000, 64>}, {transform_indices = @transform_3, window_bounds = array<i64: 2000, 64>}, {pipeline_mode = #tpu.pipeline_mode<synchronous>, transform_indices = @transform_4, window_bounds = array<i64: 128, 128>}, {pipeline_mode = #tpu.pipeline_mode<synchronous>, transform_indices = @transform_5, window_bounds = array<i64: 1, 128>}, {transform_indices = @transform_6, window_bounds = array<i64: 2000, 64>}]} {
    %get3A = arith.constant 0 : index
    %get3A_0 = arith.constant 0 : index
    %get3A_1 = vector.load %arg2[%get3A, %get3A_0] : memref<2000x64xf32, #tpu.memory_space<vmem>>, vector<2000x64xf32>
    %get3A_2 = arith.constant 0 : index
    %get3A_3 = arith.constant 0 : index
    %get3A_4 = vector.load %arg4[%get3A_2, %get3A_3] : memref<2000x64xf32, #tpu.memory_space<vmem>>, vector<2000x64xf32>
    %add3A = arith.addf %get3A_1, %get3A_4 : vector<2000x64xf32>
    %get3A_5 = arith.constant 0 : index
    %get3A_6 = arith.constant 0 : index
    %get3A_7 = vector.load %arg3[%get3A_5, %get3A_6] : memref<2000x64xf32, #tpu.memory_space<vmem>>, vector<2000x64xf32>
    %get3A_8 = arith.constant 0 : index
    %get3A_9 = arith.constant 0 : index
    %get3A_10 = vector.load %arg5[%get3A_8, %get3A_9] : memref<2000x64xf32, #tpu.memory_space<vmem>>, vector<2000x64xf32>
    %add3A_11 = arith.addf %get3A_7, %get3A_10 : vector<2000x64xf32>
    %concatenate3A = tpu.concatenate %add3A, %add3A_11 in 1 : vector<2000x64xf32>, vector<2000x64xf32> -> vector<2000x128xf32>
    %get3A_12 = arith.constant 0 : index
    %get3A_13 = arith.constant 0 : index
    %get3A_14 = vector.load %arg6[%get3A_12, %get3A_13] : memref<128x128xf32, #tpu.memory_space<vmem>>, vector<128x128xf32>
    %dot_general3A = arith.constant dense<0.000000e+00> : vector<2000x128xf32>
    %dot_general3A_15 = tpu.matmul %concatenate3A, %get3A_14, %dot_general3A {dimension_numbers = #tpu.dot_dimension_numbers<[1], [0], [0], [1], [0, 0, 1, 1], [], []>, precision = #tpu.contract_precision<fp32>, transpose_lhs_hint = false} : vector<2000x128xf32>, vector<128x128xf32>, vector<2000x128xf32> -> vector<2000x128xf32>
    %get3A_16 = arith.constant 0 : index
    %get3A_17 = arith.constant 0 : index
    %get3A_18 = vector.load %arg7[%get3A_16, %get3A_17] : memref<1x128xf32, #tpu.memory_space<vmem>>, vector<1x128xf32>
    %add3A_19 = vector.broadcast %get3A_18 : vector<1x128xf32> to vector<2000x128xf32>
    %add3A_20 = arith.addf %dot_general3A_15, %add3A_19 : vector<2000x128xf32>
    %max3A = arith.constant 0.000000e+00 : f32
    %max3A_21 = vector.broadcast %max3A : f32 to vector<2000x128xf32>
    %max3A_22 = arith.maximumf %add3A_20, %max3A_21 : vector<2000x128xf32>
    %eq3A = arith.constant 0 : i32
    %eq3A_23 = arith.cmpi eq, %arg0, %eq3A : i32
    %convert_element_type3A = arith.extui %eq3A_23 : i1 to i32
    %cond3A = arith.constant 0 : i32
    %cond3A_24 = arith.cmpi ne, %convert_element_type3A, %cond3A : i32
    scf.if %cond3A_24 {
      %slice3A = vector.extract_strided_slice %max3A_22 {offsets = [0, 0], sizes = [2000, 64], strides = [1, 1]} : vector<2000x128xf32> to vector<2000x64xf32>
      %swap3A = arith.constant 0 : index
      %swap3A_30 = arith.constant 0 : index
      %swap3A_31 = vector.load %arg8[%swap3A, %swap3A_30] : memref<2000x64xf32, #tpu.memory_space<vmem>>, vector<2000x64xf32>
      tpu.vector_store %arg8[%swap3A, %swap3A_30], %slice3A {strides = array<i32>} : memref<2000x64xf32, #tpu.memory_space<vmem>>, vector<2000x64xf32>,
    } else {
    }
    %eq3A_25 = arith.constant 1 : i32
    %eq3A_26 = arith.cmpi eq, %arg0, %eq3A_25 : i32
    %convert_element_type3A_27 = arith.extui %eq3A_26 : i1 to i32
    %cond3A_28 = arith.constant 0 : i32
    %cond3A_29 = arith.cmpi ne, %convert_element_type3A_27, %cond3A_28 : i32
    scf.if %cond3A_29 {
      %slice3A = vector.extract_strided_slice %max3A_22 {offsets = [0, 64], sizes = [2000, 64], strides = [1, 1]} : vector<2000x128xf32> to vector<2000x64xf32>
      %swap3A = arith.constant 0 : index
      %swap3A_30 = arith.constant 0 : index
      %swap3A_31 = vector.load %arg8[%swap3A, %swap3A_30] : memref<2000x64xf32, #tpu.memory_space<vmem>>, vector<2000x64xf32>
      tpu.vector_store %arg8[%swap3A, %swap3A_30], %slice3A {strides = array<i32>} : memref<2000x64xf32, #tpu.memory_space<vmem>>, vector<2000x64xf32>,
    } else {
    }
    return
  }
  func.func @transform_0(%arg0: i32, %arg1: i32) -> (i32, i32) {
    %c0_i32 = arith.constant 0 : i32
    %c0_i32_0 = arith.constant 0 : i32
    return %arg1, %c0_i32 : i32, i32
  }
  func.func @transform_1(%arg0: i32, %arg1: i32) -> (i32, i32) {
    %add3A = arith.constant 5 : i32
    %add3A_0 = arith.addi %add3A, %arg1 : i32
    %c0_i32 = arith.constant 0 : i32
    %c0_i32_1 = arith.constant 0 : i32
    return %add3A_0, %c0_i32 : i32, i32
  }
  func.func @transform_2(%arg0: i32, %arg1: i32) -> (i32, i32) {
    %c0_i32 = arith.constant 0 : i32
    %c0_i32_0 = arith.constant 0 : i32
    return %arg1, %c0_i32 : i32, i32
  }
  func.func @transform_3(%arg0: i32, %arg1: i32) -> (i32, i32) {
    %add3A = arith.constant 5 : i32
    %add3A_0 = arith.addi %add3A, %arg1 : i32
    %c0_i32 = arith.constant 0 : i32
    %c0_i32_1 = arith.constant 0 : i32
    return %add3A_0, %c0_i32 : i32, i32
  }
  func.func @transform_4(%arg0: i32, %arg1: i32) -> (i32, i32) {
    %c0_i32 = arith.constant 0 : i32
    %c0_i32_0 = arith.constant 0 : i32
    %c0_i32_1 = arith.constant 0 : i32
    return %c0_i32, %c0_i32_0 : i32, i32
  }
  func.func @transform_5(%arg0: i32, %arg1: i32) -> (i32, i32) {
    %c0_i32 = arith.constant 0 : i32
    %c0_i32_0 = arith.constant 0 : i32
    %c0_i32_1 = arith.constant 0 : i32
    return %c0_i32, %c0_i32_0 : i32, i32
  }
  func.func @transform_6(%arg0: i32, %arg1: i32) -> (i32, i32) {
    %mul3A = arith.constant 5 : i32
    %mul3A_0 = arith.muli %arg0, %mul3A : i32
    %add3A = arith.addi %mul3A_0, %arg1 : i32
    %c0_i32 = arith.constant 0 : i32
    %c0_i32_1 = arith.constant 0 : i32
    return %add3A, %c0_i32 : i32, i32
  }
}

module attributes {stable_mosaic.version = 14 : i64} {
  func.func @_final_kernel(%arg0: i32, %arg1: memref<2000x64xf32, #tpu.memory_space<vmem>>, %arg2: memref<2000x64xf32, #tpu.memory_space<vmem>>, %arg3: memref<2000x64xf32, #tpu.memory_space<vmem>>, %arg4: memref<2000x64xf32, #tpu.memory_space<vmem>>, %arg5: memref<128x128xf32, #tpu.memory_space<vmem>>, %arg6: memref<1x128xf32, #tpu.memory_space<vmem>>, %arg7: memref<1x128xf32, #tpu.memory_space<vmem>>, %arg8: memref<1x1xf32, #tpu.memory_space<vmem>>, %arg9: memref<2000x128xf32, #tpu.memory_space<vmem>>, %arg10: memref<2000x1xf32, #tpu.memory_space<vmem>>) attributes {dimension_semantics = [#tpu.dimension_semantics<arbitrary>], iteration_bounds = array<i64: 5>, scalar_prefetch = 0 : i64, scratch_operands = 0 : i64, tpu.core_type = #tpu.core_type<tc>, window_params = [{transform_indices = @transform_0, window_bounds = array<i64: 2000, 64>}, {transform_indices = @transform_1, window_bounds = array<i64: 2000, 64>}, {transform_indices = @transform_2, window_bounds = array<i64: 2000, 64>}, {transform_indices = @transform_3, window_bounds = array<i64: 2000, 64>}, {pipeline_mode = #tpu.pipeline_mode<synchronous>, transform_indices = @transform_4, window_bounds = array<i64: 128, 128>}, {pipeline_mode = #tpu.pipeline_mode<synchronous>, transform_indices = @transform_5, window_bounds = array<i64: 1, 128>}, {pipeline_mode = #tpu.pipeline_mode<synchronous>, transform_indices = @transform_6, window_bounds = array<i64: 1, 128>}, {pipeline_mode = #tpu.pipeline_mode<synchronous>, transform_indices = @transform_7, window_bounds = array<i64: 1, 1>}, {transform_indices = @transform_8, window_bounds = array<i64: 2000, 128>}, {transform_indices = @transform_9, window_bounds = array<i64: 2000, 1>}]} {
    %get3A = arith.constant 0 : index
    %get3A_0 = arith.constant 0 : index
    %get3A_1 = vector.load %arg1[%get3A, %get3A_0] : memref<2000x64xf32, #tpu.memory_space<vmem>>, vector<2000x64xf32>
    %get3A_2 = arith.constant 0 : index
    %get3A_3 = arith.constant 0 : index
    %get3A_4 = vector.load %arg3[%get3A_2, %get3A_3] : memref<2000x64xf32, #tpu.memory_space<vmem>>, vector<2000x64xf32>
    %add3A = arith.addf %get3A_1, %get3A_4 : vector<2000x64xf32>
    %get3A_5 = arith.constant 0 : index
    %get3A_6 = arith.constant 0 : index
    %get3A_7 = vector.load %arg2[%get3A_5, %get3A_6] : memref<2000x64xf32, #tpu.memory_space<vmem>>, vector<2000x64xf32>
    %get3A_8 = arith.constant 0 : index
    %get3A_9 = arith.constant 0 : index
    %get3A_10 = vector.load %arg4[%get3A_8, %get3A_9] : memref<2000x64xf32, #tpu.memory_space<vmem>>, vector<2000x64xf32>
    %add3A_11 = arith.addf %get3A_7, %get3A_10 : vector<2000x64xf32>
    %concatenate3A = tpu.concatenate %add3A, %add3A_11 in 1 : vector<2000x64xf32>, vector<2000x64xf32> -> vector<2000x128xf32>
    %get3A_12 = arith.constant 0 : index
    %get3A_13 = arith.constant 0 : index
    %get3A_14 = vector.load %arg5[%get3A_12, %get3A_13] : memref<128x128xf32, #tpu.memory_space<vmem>>, vector<128x128xf32>
    %dot_general3A = arith.constant dense<0.000000e+00> : vector<2000x128xf32>
    %dot_general3A_15 = tpu.matmul %concatenate3A, %get3A_14, %dot_general3A {dimension_numbers = #tpu.dot_dimension_numbers<[1], [0], [0], [1], [0, 0, 1, 1], [], []>, precision = #tpu.contract_precision<fp32>, transpose_lhs_hint = false} : vector<2000x128xf32>, vector<128x128xf32>, vector<2000x128xf32> -> vector<2000x128xf32>
    %get3A_16 = arith.constant 0 : index
    %get3A_17 = arith.constant 0 : index
    %get3A_18 = vector.load %arg6[%get3A_16, %get3A_17] : memref<1x128xf32, #tpu.memory_space<vmem>>, vector<1x128xf32>
    %add3A_19 = vector.broadcast %get3A_18 : vector<1x128xf32> to vector<2000x128xf32>
    %add3A_20 = arith.addf %dot_general3A_15, %add3A_19 : vector<2000x128xf32>
    %max3A = arith.constant 0.000000e+00 : f32
    %max3A_21 = vector.broadcast %max3A : f32 to vector<2000x128xf32>
    %max3A_22 = arith.maximumf %add3A_20, %max3A_21 : vector<2000x128xf32>
    %swap3A = arith.constant 0 : index
    %swap3A_23 = arith.constant 0 : index
    %swap3A_24 = vector.load %arg9[%swap3A, %swap3A_23] : memref<2000x128xf32, #tpu.memory_space<vmem>>, vector<2000x128xf32>
    tpu.vector_store %arg9[%swap3A, %swap3A_23], %max3A_22 {strides = array<i32>} : memref<2000x128xf32, #tpu.memory_space<vmem>>, vector<2000x128xf32>,
    %get3A_25 = arith.constant 0 : index
    %get3A_26 = arith.constant 0 : index
    %get3A_27 = vector.load %arg7[%get3A_25, %get3A_26] : memref<1x128xf32, #tpu.memory_space<vmem>>, vector<1x128xf32>
    %mul3A = vector.broadcast %get3A_27 : vector<1x128xf32> to vector<2000x128xf32>
    %mul3A_28 = arith.mulf %max3A_22, %mul3A : vector<2000x128xf32>
    %reduce_sum3A = arith.constant dense<0.000000e+00> : vector<2000xf32>
    %reduce_sum3A_29 = vector.multi_reduction <add>, %mul3A_28, %reduce_sum3A [1] : vector<2000x128xf32> to vector<2000xf32>
    %broadcast_in_dim3A = vector.shape_cast %reduce_sum3A_29 : vector<2000xf32> to vector<2000x1xf32>
    %get3A_30 = arith.constant 0 : index
    %get3A_31 = arith.constant 0 : index
    %get3A_32 = vector.load %arg8[%get3A_30, %get3A_31] : memref<1x1xf32, #tpu.memory_space<vmem>>, vector<1x1xf32>
    %add3A_33 = vector.broadcast %get3A_32 : vector<1x1xf32> to vector<2000x1xf32>
    %add3A_34 = arith.addf %broadcast_in_dim3A, %add3A_33 : vector<2000x1xf32>
    %logistic3A = arith.negf %add3A_34 : vector<2000x1xf32>
    %logistic3A_35 = math.exp %logistic3A : vector<2000x1xf32>
    %logistic3A_36 = arith.constant 1.000000e+00 : f32
    %logistic3A_37 = vector.broadcast %logistic3A_36 : f32 to vector<2000x1xf32>
    %logistic3A_38 = arith.addf %logistic3A_37, %logistic3A_35 : vector<2000x1xf32>
    %logistic3A_39 = arith.divf %logistic3A_37, %logistic3A_38 : vector<2000x1xf32>
    %swap3A_40 = arith.constant 0 : index
    %swap3A_41 = arith.constant 0 : index
    %swap3A_42 = vector.load %arg10[%swap3A_40, %swap3A_41] : memref<2000x1xf32, #tpu.memory_space<vmem>>, vector<2000x1xf32>
    tpu.vector_store %arg10[%swap3A_40, %swap3A_41], %logistic3A_39 {strides = array<i32>} : memref<2000x1xf32, #tpu.memory_space<vmem>>, vector<2000x1xf32>,
    return
  }
  func.func @transform_0(%arg0: i32) -> (i32, i32) {
    %c0_i32 = arith.constant 0 : i32
    %c0_i32_0 = arith.constant 0 : i32
    return %arg0, %c0_i32 : i32, i32
  }
  func.func @transform_1(%arg0: i32) -> (i32, i32) {
    %add3A = arith.constant 5 : i32
    %add3A_0 = arith.addi %add3A, %arg0 : i32
    %c0_i32 = arith.constant 0 : i32
    %c0_i32_1 = arith.constant 0 : i32
    return %add3A_0, %c0_i32 : i32, i32
  }
  func.func @transform_2(%arg0: i32) -> (i32, i32) {
    %c0_i32 = arith.constant 0 : i32
    %c0_i32_0 = arith.constant 0 : i32
    return %arg0, %c0_i32 : i32, i32
  }
  func.func @transform_3(%arg0: i32) -> (i32, i32) {
    %add3A = arith.constant 5 : i32
    %add3A_0 = arith.addi %add3A, %arg0 : i32
    %c0_i32 = arith.constant 0 : i32
    %c0_i32_1 = arith.constant 0 : i32
    return %add3A_0, %c0_i32 : i32, i32
  }
  func.func @transform_4(%arg0: i32) -> (i32, i32) {
    %c0_i32 = arith.constant 0 : i32
    %c0_i32_0 = arith.constant 0 : i32
    %c0_i32_1 = arith.constant 0 : i32
    return %c0_i32, %c0_i32_0 : i32, i32
  }
  func.func @transform_5(%arg0: i32) -> (i32, i32) {
    %c0_i32 = arith.constant 0 : i32
    %c0_i32_0 = arith.constant 0 : i32
    %c0_i32_1 = arith.constant 0 : i32
    return %c0_i32, %c0_i32_0 : i32, i32
  }
  func.func @transform_6(%arg0: i32) -> (i32, i32) {
    %c0_i32 = arith.constant 0 : i32
    %c0_i32_0 = arith.constant 0 : i32
    %c0_i32_1 = arith.constant 0 : i32
    return %c0_i32, %c0_i32_0 : i32, i32
  }
  func.func @transform_7(%arg0: i32) -> (i32, i32) {
    %c0_i32 = arith.constant 0 : i32
    %c0_i32_0 = arith.constant 0 : i32
    %c0_i32_1 = arith.constant 0 : i32
    return %c0_i32, %c0_i32_0 : i32, i32
  }
  func.func @transform_8(%arg0: i32) -> (i32, i32) {
    %c0_i32 = arith.constant 0 : i32
    %c0_i32_0 = arith.constant 0 : i32
    return %arg0, %c0_i32 : i32, i32
  }
  func.func @transform_9(%arg0: i32) -> (i32, i32) {
    %c0_i32 = arith.constant 0 : i32
    %c0_i32_0 = arith.constant 0 : i32
    return %arg0, %c0_i32 : i32, i32
  }
}

</mosaic_0001>

<sc_bundles>
// kernel: kernel.10.cloned.1.call-start
scs
__scs_entry_jumppad:
0x0: {  	(pc) =	sbr.rel $0x88, $3  }
0x1: {  	(tag) =	ssettag $0x0;
	lr =	simm.s32 $0x1  }
0x2: {  	[smem:$0x3F93] =	sst lr;
	_ =	strace $0xD0000000  }
0x3: {  	_ = 	snop  }
0x4: {  	_ = 	snop  }
0x5: {  	_ = 	snop  }
0x6: {  	_ = 	snop  }
0x7: {  	_ = 	snop  }
__scs_overlays_trampoline_lowered:
0x8: {  	[smem:$0x3FA2] =	sst s0  }
0x9: {  	[smem:$0x3FA3] =	sst s1  }
0xa: {  	[smem:$0x3FA4] =	sst s2  }
0xb: {  	[smem:$0x3FA5] =	sst s3  }
0xc: {  	[smem:$0x3FA6] =	sst s4  }
0xd: {  	[smem:$0x3FA7] =	sst s5  }
0xe: {  	[smem:$0x3FA8] =	sst s6  }
0xf: {  	[smem:$0x3FA9] =	sst s7  }
0x10: {  	[smem:$0x3FAA] =	sst s8  }
0x11: {  	[smem:$0x3FAB] =	sst s9;
	s0 =	simm.s32 @!p0 $0x0  }
0x12: {  	s1 =	sld [smem:$0x3F91];
	s0 =	simm.s32 @p0 $0x1  }
0x13: {  	[smem:$0x3FAC] =	sst s0;
	s0 =	simm.s32 @!p1 $0x0  }
0x14: {  	s2 =	sld [smem:$0x3F90];
	s0 =	simm.s32 @p1 $0x1  }
0x15: {  	[smem:$0x3FAD] =	sst s0;
	s0 =	simm.s32 @!p2 $0x0  }
0x16: {  	s3 =	sld [smem:$0x3FDB];
	s0 =	simm.s32 @p2 $0x1  }
0x17: {  	s4 =	simm.s32 $0x1BF5;
	[smem:$0x3FAF] =	sst s0  }
0x18: {  	s0 =	sld [smem:$0x3F92];
	_ =	swait.ge [sflag:s4], $0x0  }
0x19: {  	s7 =	sld [smem:$0x3F93]  }
0x1a: {  	s8 =	sadd.s32 $0xFFFFE003, lr  }
0x1b: {  	s9 =	sadd.s32 $0xFFFFFEF7, lr;
	s5 =	simm.s32 $0xFFFFFFFF;
	p2 =	slt.u32 s8, $0xFFFFF086  }
0x1c: {  	p1 =	slt.u32 s9, $0xF7A;
	s5 =	simm.s32 @!p2 $0x0  }
0x1d: {  	s5 =	simm.s32 @p1 $0x1;
	p0 =	seq.s32 s7, s2  }
0x1e: {  	s7 =	smul.u32 @!p0 $0xF7A, s2;
	p2 =	seq.s32 @!p0 s5, $0x0  }
0x1f: {  	s9 =	smul.u32 $0xF7A, s1;
	s8 =	simm.s32 @!p0 $0x1BF5;
	p2 =	por !p2, p0  }
0x20: {  	[sflag:s8] =	ssyncset.s32 @!p0 $0xFFFFF086;
	s6 =	sadd.s32 @!p0 s3, s7;
	s7 =	simm.s32 @!p0 $0x108  }
0x21: {  	s3 =	sadd.s32 s3, s9;
	s6 =	sadd.s32 @!p0 $0x88, s6;
	s7 =	simm.s32 @p2 $0x1082  }
0x22: {  	[simem:s7], [sflag:s8] =	dma.local @!p0 [hbm:s6], $0xF7A  }
0x23: {  	s9 =	sor.u32 $0xD0000000, s2;
	s6 =	simm.s32 $0x108;
	_ =	swait.ge @!p0 [sflag:s8], $0x0  }
0x24: {  	s3 =	sadd.s32 $0x88, s3;
	s6 =	simm.s32 @!p1 $0x1082;
	[sflag:s4] =	ssyncset.s32 $0xFFFFF086  }
0x25: {  	[simem:s6], [sflag:s4] =	dma.local [hbm:s3], $0xF7A  }
0x26: {  	[smem:$0x3F93] =	sst s1;
	(tag) =	ssettag s2;
	_ =	strace s9  }
0x27: {  	s1 =	sld [smem:$0x3FA3]  }
0x28: {  	s2 =	sld [smem:$0x3FA4]  }
0x29: {  	s4 =	sld [smem:$0x3FA6]  }
0x2a: {  	p0 =	seq.s32 s5, $0x0;
	s5 =	sld [smem:$0x3FA7]  }
0x2b: {  	s6 =	sld [smem:$0x3FA8]  }
0x2c: {  	s7 =	sld [smem:$0x3FA9]  }
0x2d: {  	s3 =	simm.s32 $0x108;
	s8 =	sld [smem:$0x3FAA]  }
0x2e: {  	s3 =	simm.s32 @!p0 $0x1082;
	s9 =	sld [smem:$0x3FAB]  }
0x2f: {  	lr =	sadd.s32 s0, s3;
	s0 =	sld [smem:$0x3FA2]  }
0x30: {  	s3 =	sld [smem:$0x3FA5]  }
0x31: {  	[smem:$0x3FAE] =	sst s10  }
0x32: {  	s10 =	sld [smem:$0x3FAC];
	_ =	sdelay $0x3  }
0x33: {  	p0 =	seq.s32 s10, $0x1;
	s10 =	sld [smem:$0x3FAE];
	_ =	sdelay $0x3  }
0x34: {  	[smem:$0x3FAE] =	sst s10  }
0x35: {  	s10 =	sld [smem:$0x3FAD];
	_ =	sdelay $0x3  }
0x36: {  	p1 =	seq.s32 s10, $0x1;
	s10 =	sld [smem:$0x3FAE];
	_ =	sdelay $0x3  }
0x37: {  	[smem:$0x3FAE] =	sst s10  }
0x38: {  	s10 =	sld [smem:$0x3FAF]  }
0x39: {  	_ = 	snop;
	(pc) =	sbr.ind lr, $3  }
0x3a: {  	_ = 	snop  }
0x3b: {  	_ = 	snop  }
0x3c: {  	p2 =	seq.s32 s10, $0x1;
	s10 =	sld [smem:$0x3FAE]  }
0x3d: {  	_ =	shalt  }
0x3e: {  	_ =	shalt  }
0x3f: {  	_ =	shalt  }
0x40: {  	_ =	shalt  }
0x41: {  	_ =	shalt  }
0x42: {  	_ =	shalt  }
0x43: {  	_ =	shalt  }
0x44: {  	_ =	shalt  }
0x45: {  	_ =	shalt  }
0x46: {  	_ =	shalt  }
0x47: {  	_ =	shalt  }
0x48: {  	_ =	shalt  }
0x49: {  	_ =	shalt  }
0x4a: {  	_ =	shalt  }
0x4b: {  	_ =	shalt  }
0x4c: {  	_ =	shalt  }
0x4d: {  	_ =	shalt  }
0x4e: {  	_ =	shalt  }
0x4f: {  	_ =	shalt  }
0x50: {  	_ =	shalt  }
0x51: {  	_ =	shalt  }
0x52: {  	_ =	shalt  }
0x53: {  	_ =	shalt  }
0x54: {  	_ =	shalt  }
0x55: {  	_ =	shalt  }
0x56: {  	_ =	shalt  }
0x57: {  	_ =	shalt  }
0x58: {  	_ =	shalt  }
0x59: {  	_ =	shalt  }
0x5a: {  	_ =	shalt  }
0x5b: {  	_ =	shalt  }
0x5c: {  	_ =	shalt  }
0x5d: {  	_ =	shalt  }
0x5e: {  	_ =	shalt  }
0x5f: {  	_ =	shalt  }
0x60: {  	_ =	shalt  }
0x61: {  	_ =	shalt  }
0x62: {  	_ =	shalt  }
0x63: {  	_ =	shalt  }
0x64: {  	_ =	shalt  }
0x65: {  	_ =	shalt  }
0x66: {  	_ =	shalt  }
0x67: {  	_ =	shalt  }
0x68: {  	_ =	shalt  }
0x69: {  	_ =	shalt  }
0x6a: {  	_ =	shalt  }
0x6b: {  	_ =	shalt  }
0x6c: {  	_ =	shalt  }
0x6d: {  	_ =	shalt  }
0x6e: {  	_ =	shalt  }
0x6f: {  	_ =	shalt  }
0x70: {  	_ =	shalt  }
0x71: {  	_ =	shalt  }
0x72: {  	_ =	shalt  }
0x73: {  	_ =	shalt  }
0x74: {  	_ =	shalt  }
0x75: {  	_ =	shalt  }
0x76: {  	_ =	shalt  }
0x77: {  	_ =	shalt  }
0x78: {  	_ =	shalt  }
0x79: {  	_ =	shalt  }
0x7a: {  	_ =	shalt  }
0x7b: {  	_ =	shalt  }
0x7c: {  	_ =	shalt  }
0x7d: {  	_ =	shalt  }
0x7e: {  	_ =	shalt  }
0x7f: {  	_ =	shalt  }
0x80: {  	_ =	shalt  }
0x81: {  	_ =	shalt  }
0x82: {  	_ =	shalt  }
0x83: {  	_ =	shalt  }
0x84: {  	_ =	shalt  }
0x85: {  	_ =	shalt  }
0x86: {  	_ =	shalt  }
0x87: {  	_ =	shalt  }
.Lfunc_end0:
.L_simem_size_0:
called_computation.1_lowered:
.L_overlay_start_0:
0x88: {  	s2 =	sld [smem:$0x3FD9]  }
0x89: {  	s3 =	sld [smem:$0x3FFE];
	_ =	sdelay $0x1  }
0x8a: {  	s1 =	srdreg.scid  }
0x8b: {  	s0 =	sand.u32 $0x1, s1  }
0x8c: {  	s14 =	sshll.u32 s0, $0xA;
	s2 =	sadd.s32 s3, s2  }
0x8d: {  	s2 =	sadd.s32 s2, s14  }
0x8e: {  	[smem:$0x3FBA] =	sst s2  }
0x8f: {  	_ = 	snop  }
0x90: {  	s2 =	sld [smem:$0x3FD0];
	_ =	sdelay $0x2  }
0x91: {  	s15 =	simm.s32 $0xA;
	s4 =	simm.s32 $0x10  }
0x92: {  	[smem:s4], [sflag:s15] =	dma.local [hbm:s2], $0x1  }
0x93: {  	_ =	swait.eq [sflag:s15], $0x1  }
0x94: {  	[sflag:s15] =	ssyncset.done $0x0  }
0x95: {  	[sflag:s15] =	ssyncadd.s32 $0xFFFFFFFF  }
0x96: {  	s16 =	sld [smem:$0x11];
	(tm) =	ssettm $0x1  }
0x97: {  	s17 =	sld [smem:$0x3FFB];
	_ =	sdelay $0x3  }
0x98: {  	_ =	strace s17  }
0x99: {  	s3 =	sld [smem:$0x3FFC];
	_ =	sdelay $0x3  }
0x9a: {  	_ =	strace s3  }
0x9b: {  	s3 =	sld [smem:$0x3FFD];
	_ =	sdelay $0x3  }
0x9c: {  	_ =	strace s3  }
0x9d: {  	_ =	strace $0x8FFFFFFF  }
0x9e: {  	s18 =	sld [smem:$0x3FDB];
	_ =	sdelay $0x1  }
0x9f: {  	s19 =	simm.s32 $_scs_section_size  }
0xa0: {  	s5 =	simm.s32 $_size__tile_overlayer_lowered;
	s6 =	simm.s32 $_tile_overlayer_lowered  }
0xa1: {  	s22 =	simm.s32 $0x1BFF;
	s21 =	sshll.u32 s6, $0x1;
	s3 =	sadd.s32 s19, s18  }
0xa2: {  	s7 =	simm.s32 $0x0;
	s20 =	sshll.u32 s5, $0x1;
	s5 =	sadd.s32 s21, s3  }
0xa3: {  	[timem:s7], [sflag:s22] =	dma.local [hbm:s5], s20  }
0xa4: {  	_ =	swait.ge [sflag:s22], s20  }
0xa5: {  	s4 =	ssub.s32 $0x0, s20;
	[sflag:s22] =	ssyncset.done $0x0  }
0xa6: {  	[sflag:s22] =	ssyncadd.s32 s4;
	_ =	sdelay $0x1  }
0xa7: {  	s23 =	simm.s32 $0x1B8B  }
0xa8: {  	_ =	swait.ge [sflag:s23], $0x1  }
0xa9: {  	[sflag:s23] =	ssyncset.done $0x0  }
0xaa: {  	s25 =	simm.s32 $0x1B8E;
	s24 =	sld [smem:$0x3FFE];
	[sflag:s23] =	ssyncadd.s32 $0xFFFFFFFF  }
0xab: {  	s26 =	simm.s32 $execute0_lowered;
	[smem:$0x3FD2] =	sst s25  }
0xac: {  	s5 =	sshll.u32 s26, $0x1;
	_ =	strace $0x80000049;
	[dreg:$0x1] =	wrdreg $0xFFFFFFFF  }
0xad: {  	s28 =	simm.s32 $_size_execute0_lowered;
	s3 =	sadd.s32 s3, s5;
	[dreg:$0x0] =	wrdreg $0x0  }
0xae: {  	s5 =	sshll.u32 s28, $0x1;
	[dreg:$0x2] =	wrdreg s3  }
0xaf: {  	[dreg:$0x3] =	wrdreg s5  }
0xb0: {  	[dreg:$0x4] =	wrdreg $0xC0  }
0xb1: {  	_ =	task [dreg:s7], $0x5FFFF  }
0xb2: {  	[dreg:$0x1] =	wrdreg $0xFFFFFFFF  }
0xb3: {  	[dreg:$0x0] =	wrdreg $0x60  }
0xb4: {  	[dreg:$0x2] =	wrdreg s16  }
0xb5: {  	[dreg:$0x3] =	wrdreg s24  }
0xb6: {  	[dreg:$0x4] =	wrdreg $0xC0000  }
0xb7: {  	[dreg:$0x5] =	wrdreg $0x160000  }
0xb8: {  	[dreg:$0x6] =	wrdreg $0x9  }
0xb9: {  	_ =	task.clear_ibuf [dreg:s7], $0x7FFFF;
	_ =	strace $0x90000049  }
0xba: {  	s29 =	simm.s32 $0x9;
	_ =	strace $0x8000004B  }
0xbb: {  	_ =	swait.ge [sflag:s29], $0x1  }
0xbc: {  	[sflag:s29] =	ssyncadd.s32 $0xFFFFFFFF  }
0xbd: {  	_ =	strace $0x9000004B  }
0xbe: {  	_ =	sfence  }
0xbf: {  	s30 =	sld [smem:$0x0];
	_ =	sdelay $0x2  }
0xc0: {  	s31 =	sshll.u32 s1, $0xD;
	s1 =	sshrl.u32 s1, $0x2  }
0xc1: {  	s3 =	sand.u32 $0x4000, s31;
	s1 =	sadd.s32 s1, s30  }
0xc2: {  	s0 =	sor.u32 s3, s0;
	s1 =	sshll.u32 s1, $0x11  }
0xc3: {  	s0 =	sor.u32 s1, s0  }
0xc4: {  	s0 =	sadd.s32 $0x8F2B, s0  }
0xc5: {  	[sflag:s0] =	ssyncadd.remote.s32 $0x1  }
0xc6: {  	_ =	sfence.sel $0xFFFF  }
0xc7: {  	[dreg:$0x0] =	wrdreg $0xFFFFFFFF;
	(pc) =	sbr.abs _section_cstart, $3  }
0xc8: {  	[dreg:$0x1] =	wrdreg $0xFFFFFFFF  }
0xc9: {  	_ =	task.clear_ibuf [dreg:s7], $0x2FFFF;
	_ =	strace $0x9FFFFFFF  }
0xca: {  	(tm) =	ssettm $0x7FFFFFFF  }
0xcb: {  	_ =	shalt  }
tec
execute0_lowered:
.L_overlay_start_1:
0x0: {  	(tag) =	ssettag $0x1  }
0x1: {  	s8 =	rddreg [dreg:$0x0]  }
0x2: {  	s5 =	rddreg [dreg:$0x1]  }
0x3: {  	s2 =	rddreg [dreg:$0x2]  }
0x4: {  	s3 =	rddreg [dreg:$0x3];
	s1 =	stileid.u32  }
0x5: {  	s0 =	rddreg [dreg:$0x4];
	s4 =	simm.s32 $0x0;
	s6 =	smul.u32 $0xA00, s1  }
0x6: {  	s9 =	srdreg.scid;
	s19 =	simm.s32 $0x80;
	s7 =	smul.u32 $0xA000, s1  }
0x7: {  	s20 =	simm.s32 $0xA000;
	s21 =	simm.s32 $0x1;
	s12 =	smul.u32 $0x278, s1  }
0x8: {  	[smem:$0x7FF] =	sst s4;
	s23 =	sand.u32 $0x1, s9;
	s14 =	smul.u32 $0x27800, s1  }
0x9: {  	s15 =	sadd.s32 $0x29E00, s5;
	s26 =	sshll.u32 s1, $0x6;
	s18 =	sadd.s32 $0x94200, s3  }
0xa: {  	s22 =	sadd.s32 $0x94200, s2;
	p0 =	seq.s32 s1, $0xF;
	s25 =	smul.u32 $0x2710, s23  }
0xb: {  	_ =	strace $0x8000004A;
	s11 =	ssub.s32 $0x2, s23;
	s17 =	smul.u32 $0x9C400, s23  }
0xc: {  	s22 =	sshrl.u32 @p0 s22, $0x3;
	s10 =	sadd.s32 s6, s5;
	s24 =	sshrl.u32 s7, $0x3  }
0xd: {  	s13 =	sshrl.u32 s11, $0x1;
	s16 =	sadd.s32 s7, s2;
	s6 =	sor.u32 $0x1C02, s26  }
0xe: {  	s29 =	sshrl.u32 s14, $0x2;
	s9 =	sadd.s32 s24, s5;
	s13 =	ssub.s32 s11, s13  }
0xf: {  	s28 =	sadd.s32 s12, s25;
	s30 =	sshrl.u32 s17, $0x3;
	s17 =	sadd.s32 s29, s3  }
0x10: {  	s23 =	sadd.s32 s29, s2;
	s14 =	sshrl.u32 s16, $0x3;
	s16 =	sshrl.u32 @p0 s18, $0x3  }
0x11: {  	s18 =	simm.s32 $0x5000;
	s24 =	simm.s32 $0x0;
	s5 =	sadd.s32 $0x15E00, s9  }
0x12: {  	s11 =	sshll.u32 s28, $0x3;
	s31 =	sadd.s32 $0x12840, s30;
	s9 =	sadd.s32 $0x1E00, s10  }
0x13: {  	s10 =	sadd.s32 $0xBE00, s10;
	s13 =	smax.u32 s13, $0x1;
	s17 =	sshrl.u32 @!p0 s17, $0x3  }
0x14: {  	s23 =	sshrl.u32 @!p0 s23, $0x3;
	s7 =	sadd.s32 s8, s11;
	s8 =	sadd.s32 s8, s31  }
0x15: {  	s11 =	sadd.s32 s15, s11;
	s12 =	sadd.s32 s15, s31;
	s15 =	simm.s32 $0x2  }
.LBB2_1:
0x16: {  	[spmem:s14], [sflag:s6] =	dma.local [hbm:s5], $0x1400  }
0x17: {  	_ =	swait.ge [sflag:s15], $0x1400  }
0x18: {  	[sflag:s15] =	ssyncset.done $0x0  }
0x19: {  	[sflag:s15] =	ssyncadd.s32 $0xFFFFEC00  }
0x1a: {  	s25 =	simm.s32 @p0 $0x2;
	[bflag:$0x0] =	sbarrier.arrive $0xFFFF  }
0x1b: {  	[spmem:s16], [sflag:s6] =	dma.local @p0 [hbm:s8], $0x1040  }
0x1c: {  	_ =	swait.ge @p0 [sflag:s25], $0x1040  }
0x1d: {  	[sflag:s25] =	ssyncset.done @p0 $0x0  }
0x1e: {  	[sflag:s25] =	ssyncadd.s32 @p0 $0xFFFFEFC0;
	s25 =	simm.s32 @!p0 $0x2  }
0x1f: {  	[spmem:s17], [sflag:s6] =	dma.local @!p0 [hbm:s7], $0x13C0  }
0x20: {  	_ =	swait.ge @!p0 [sflag:s25], $0x13C0  }
0x21: {  	[sflag:s25] =	ssyncset.done @!p0 $0x0  }
0x22: {  	[sflag:s25] =	ssyncadd.s32 @!p0 $0xFFFFEC40  }
0x23: {  	[tilespmem:s4], [sflag:$0x2] =	stream.linear.gather [hbm4b:s9+s4], $0x5000, $0x38;
	v63 =	vld [tilespmem:$0x0]  }
0x24: {  	_ =	swait.ge [sflag:s15], $0x5000  }
0x25: {  	[sflag:s15] =	ssyncset.done $0x0  }
0x26: {  	[sflag:s15] =	ssyncadd.s32 $0xFFFFB000  }
0x27: {  	[tilespmem:s18], [sflag:$0x2] =	stream.linear.gather [hbm4b:s10+s4], $0x5000, $0x38;
	v63 =	vld [tilespmem:$0x0]  }
0x28: {  	_ =	swait.ge [sflag:s15], $0x5000  }
0x29: {  	[sflag:s15] =	ssyncset.done $0x0  }
0x2a: {  	[sflag:s15] =	ssyncadd.s32 $0xFFFFB000  }
0x2b: {  	s30 =	simm.s32 $0x0;
	[bflag:$0x0] =	sbarrier.arrive $0xFFFF  }
0x2c: {  	[tilespmem:s20], [sflag:$0x1] =	stream.indirect.gather [spmem:s3], $0x40, s30, s19, $0xb8;
	v63 =	vld [tilespmem:$0x0]  }
0x2d: {  	_ =	swait.ge [sflag:s21], $0x2000  }
0x2e: {  	[sflag:s21] =	ssyncset.done $0x0  }
0x2f: {  	s31 =	simm.s32 $0x5000;
	[sflag:s21] =	ssyncadd.s32 $0xFFFFE000  }
0x30: {  	[spmem:s2] =	stream.indirect.scatter.add.f32 [tilespmem:s20], [sflag:$0x2], $0x40, s31, s19, $0xb8;
	v63 =	vld [tilespmem:$0x0]  }
0x31: {  	_ =	swait.ge [sflag:s15], $0x2000  }
0x32: {  	s26 =	simm.s32 $0x400;
	s25 =	simm.s32 $0x200;
	[sflag:s15] =	ssyncset.done $0x0  }
.LBB2_2:
0x33: {  	s28 =	sshra.s32 s25, $0x2  }
0x34: {  	[sflag:s15] =	ssyncadd.s32 $0xFFFFE000;
	s25 =	smov.u32 s26;
	s29 =	sadd.s32 $0x200, s26  }
0x35: {  	[tilespmem:s20], [sflag:$0x1] =	stream.indirect.gather [spmem:s3], $0x40, s28, s19, $0xb8;
	v63 =	vld [tilespmem:$0x0]  }
0x36: {  	p1 =	sne.s32 s26, $0x13E00;
	_ =	swait.ge [sflag:s21], $0x2000  }
.Ltmp0:
0x37: {  	[sflag:s21] =	ssyncset.done $0x0;
	(pc) =	sbr.rel @p1 .LBB2_2-.Ltmp0, $4  }
0x38: {  	s26 =	sadd.s32 $0x5000, s28;
	[sflag:s21] =	ssyncadd.s32 $0xFFFFE000  }
0x39: {  	[spmem:s2] =	stream.indirect.scatter.add.f32 [tilespmem:s20], [sflag:$0x2], $0x40, s26, s19, $0xb8;
	v63 =	vld [tilespmem:$0x0]  }
0x3a: {  	_ =	swait.ge [sflag:s15], $0x2000  }
0x3b: {  	s26 =	smov.u32 s29;
	[sflag:s15] =	ssyncset.done $0x0  }
0x3c: {  	s25 =	sshra.s32 s25, $0x2;
	[sflag:s15] =	ssyncadd.s32 $0xFFFFE000  }
0x3d: {  	[tilespmem:s20], [sflag:$0x1] =	stream.indirect.gather [spmem:s3], $0x40, s25, s19, $0xb8;
	v63 =	vld [tilespmem:$0x0]  }
0x3e: {  	_ =	swait.ge [sflag:s21], $0x2000  }
0x3f: {  	[sflag:s21] =	ssyncset.done $0x0  }
0x40: {  	s25 =	sadd.s32 $0x5000, s25;
	[sflag:s21] =	ssyncadd.s32 $0xFFFFE000  }
0x41: {  	[spmem:s2] =	stream.indirect.scatter.add.f32 [tilespmem:s20], [sflag:$0x2], $0x40, s25, s19, $0xb8;
	v63 =	vld [tilespmem:$0x0]  }
0x42: {  	_ =	swait.ge [sflag:s15], $0x2000  }
0x43: {  	[sflag:s15] =	ssyncset.done $0x0  }
0x44: {  	[sflag:s15] =	ssyncadd.s32 $0xFFFFE000  }
0x45: {  	s25 =	simm.s32 @p0 $0x2;
	[bflag:$0x0] =	sbarrier.arrive $0xFFFF  }
0x46: {  	[hbm:s12], [sflag:s6] =	dma.local @p0 [spmem:s22], $0x1040  }
0x47: {  	s24 =	sadd.s32 $0x1, s24;
	_ =	swait.ge @p0 [sflag:s25], $0x1040  }
0x48: {  	p1 =	sne.s32 s24, s13;
	[sflag:s25] =	ssyncset.done @p0 $0x0  }
.Ltmp1:
0x49: {  	[sflag:s25] =	ssyncadd.s32 @p0 $0xFFFFEFC0;
	s25 =	simm.s32 @!p0 $0x2;
	(pc) =	sbr.rel @p1 .LBB2_1-.Ltmp1, $4  }
0x4a: {  	[hbm:s11], [sflag:s6] =	dma.local @!p0 [spmem:s23], $0x13C0  }
0x4b: {  	_ =	swait.ge @!p0 [sflag:s25], $0x13C0  }
0x4c: {  	[sflag:s25] =	ssyncset.done @!p0 $0x0  }
0x4d: {  	[sflag:s25] =	ssyncadd.s32 @!p0 $0xFFFFEC40  }
0x4e: {  	_ =	sfence.sel $0x180000  }
0x4f: {  	[bflag:$0x0] =	sbarrier.arrive $0xFFFF  }
0x50: {  	p0 =	sne.s32 s1, $0x0;
	_ =	strace $0x9000004A  }
0x51: {  	s0 =	sadd.s32 @!p0 $0x100000, s0;
	[bflag:$0x2] =	sbarrier.arrive $0xFFFF  }
0x52: {  	[sflag:s0] =	ssyncadd.tile.s32 @!p0 $0x1;
	_ =	shalt  }
.Lfunc_end2:
_tile_overlayer_lowered:
.L_overlay_start_2:
0x53: {  	(tag) =	ssettag $0x2  }
0x54: {  	s0 =	rddreg [dreg:$0x0];
	s2 =	stileid.u32  }
0x55: {  	s1 =	rddreg [dreg:$0x1];
	p0 =	sne.s32 s2, $0x0  }
0x56: {  	s3 =	rddreg [dreg:$0x2];
	[bflag:$0x3] =	sbarrier.arrive $0xFFFF;
	s2 =	simm.s32 @!p0 $0x1C02  }
0x57: {  	[timem:s3], [sflag:s2] =	dma.local @!p0 [hbm:s0], s1  }
0x58: {  	s0 =	simm.s32 @!p0 $0x2  }
0x59: {  	_ =	swait.ge @!p0 [sflag:s0], s1  }
0x5a: {  	s1 =	ssub.s32 @!p0 $0x0, s1;
	[sflag:s0] =	ssyncset.done @!p0 $0x0  }
0x5b: {  	[sflag:s0] =	ssyncadd.s32 @!p0 s1  }
0x5c: {  	[bflag:$0x3] =	sbarrier.arrive $0xFFFF  }
0x5d: {  	_ =	shalt  }

// kernel: kernel.7.cloned.1.call-start
scs
__scs_entry_jumppad:
0x0: {  	(pc) =	sbr.rel $0x88, $3  }
0x1: {  	(tag) =	ssettag $0x0;
	lr =	simm.s32 $0x1  }
0x2: {  	[smem:$0x3F93] =	sst lr;
	_ =	strace $0xD0000000  }
0x3: {  	_ = 	snop  }
0x4: {  	_ = 	snop  }
0x5: {  	_ = 	snop  }
0x6: {  	_ = 	snop  }
0x7: {  	_ = 	snop  }
__scs_overlays_trampoline_lowered:
0x8: {  	[smem:$0x3FA2] =	sst s0  }
0x9: {  	[smem:$0x3FA3] =	sst s1  }
0xa: {  	[smem:$0x3FA4] =	sst s2  }
0xb: {  	[smem:$0x3FA5] =	sst s3  }
0xc: {  	[smem:$0x3FA6] =	sst s4  }
0xd: {  	[smem:$0x3FA7] =	sst s5  }
0xe: {  	[smem:$0x3FA8] =	sst s6  }
0xf: {  	[smem:$0x3FA9] =	sst s7  }
0x10: {  	[smem:$0x3FAA] =	sst s8  }
0x11: {  	[smem:$0x3FAB] =	sst s9;
	s0 =	simm.s32 @!p0 $0x0  }
0x12: {  	s1 =	sld [smem:$0x3F91];
	s0 =	simm.s32 @p0 $0x1  }
0x13: {  	[smem:$0x3FAC] =	sst s0;
	s0 =	simm.s32 @!p1 $0x0  }
0x14: {  	s2 =	sld [smem:$0x3F90];
	s0 =	simm.s32 @p1 $0x1  }
0x15: {  	[smem:$0x3FAD] =	sst s0;
	s0 =	simm.s32 @!p2 $0x0  }
0x16: {  	s3 =	sld [smem:$0x3FDB];
	s0 =	simm.s32 @p2 $0x1  }
0x17: {  	s4 =	simm.s32 $0x1BF5;
	[smem:$0x3FAF] =	sst s0  }
0x18: {  	s0 =	sld [smem:$0x3F92];
	_ =	swait.ge [sflag:s4], $0x0  }
0x19: {  	s7 =	sld [smem:$0x3F93]  }
0x1a: {  	s8 =	sadd.s32 $0xFFFFE003, lr  }
0x1b: {  	s9 =	sadd.s32 $0xFFFFFEF7, lr;
	s5 =	simm.s32 $0xFFFFFFFF;
	p2 =	slt.u32 s8, $0xFFFFF086  }
0x1c: {  	p1 =	slt.u32 s9, $0xF7A;
	s5 =	simm.s32 @!p2 $0x0  }
0x1d: {  	s5 =	simm.s32 @p1 $0x1;
	p0 =	seq.s32 s7, s2  }
0x1e: {  	s7 =	smul.u32 @!p0 $0xF7A, s2;
	p2 =	seq.s32 @!p0 s5, $0x0  }
0x1f: {  	s9 =	smul.u32 $0xF7A, s1;
	s8 =	simm.s32 @!p0 $0x1BF5;
	p2 =	por !p2, p0  }
0x20: {  	[sflag:s8] =	ssyncset.s32 @!p0 $0xFFFFF086;
	s6 =	sadd.s32 @!p0 s3, s7;
	s7 =	simm.s32 @!p0 $0x108  }
0x21: {  	s3 =	sadd.s32 s3, s9;
	s6 =	sadd.s32 @!p0 $0x88, s6;
	s7 =	simm.s32 @p2 $0x1082  }
0x22: {  	[simem:s7], [sflag:s8] =	dma.local @!p0 [hbm:s6], $0xF7A  }
0x23: {  	s9 =	sor.u32 $0xD0000000, s2;
	s6 =	simm.s32 $0x108;
	_ =	swait.ge @!p0 [sflag:s8], $0x0  }
0x24: {  	s3 =	sadd.s32 $0x88, s3;
	s6 =	simm.s32 @!p1 $0x1082;
	[sflag:s4] =	ssyncset.s32 $0xFFFFF086  }
0x25: {  	[simem:s6], [sflag:s4] =	dma.local [hbm:s3], $0xF7A  }
0x26: {  	[smem:$0x3F93] =	sst s1;
	(tag) =	ssettag s2;
	_ =	strace s9  }
0x27: {  	s1 =	sld [smem:$0x3FA3]  }
0x28: {  	s2 =	sld [smem:$0x3FA4]  }
0x29: {  	s4 =	sld [smem:$0x3FA6]  }
0x2a: {  	p0 =	seq.s32 s5, $0x0;
	s5 =	sld [smem:$0x3FA7]  }
0x2b: {  	s6 =	sld [smem:$0x3FA8]  }
0x2c: {  	s7 =	sld [smem:$0x3FA9]  }
0x2d: {  	s3 =	simm.s32 $0x108;
	s8 =	sld [smem:$0x3FAA]  }
0x2e: {  	s3 =	simm.s32 @!p0 $0x1082;
	s9 =	sld [smem:$0x3FAB]  }
0x2f: {  	lr =	sadd.s32 s0, s3;
	s0 =	sld [smem:$0x3FA2]  }
0x30: {  	s3 =	sld [smem:$0x3FA5]  }
0x31: {  	[smem:$0x3FAE] =	sst s10  }
0x32: {  	s10 =	sld [smem:$0x3FAC];
	_ =	sdelay $0x3  }
0x33: {  	p0 =	seq.s32 s10, $0x1;
	s10 =	sld [smem:$0x3FAE];
	_ =	sdelay $0x3  }
0x34: {  	[smem:$0x3FAE] =	sst s10  }
0x35: {  	s10 =	sld [smem:$0x3FAD];
	_ =	sdelay $0x3  }
0x36: {  	p1 =	seq.s32 s10, $0x1;
	s10 =	sld [smem:$0x3FAE];
	_ =	sdelay $0x3  }
0x37: {  	[smem:$0x3FAE] =	sst s10  }
0x38: {  	s10 =	sld [smem:$0x3FAF]  }
0x39: {  	_ = 	snop;
	(pc) =	sbr.ind lr, $3  }
0x3a: {  	_ = 	snop  }
0x3b: {  	_ = 	snop  }
0x3c: {  	p2 =	seq.s32 s10, $0x1;
	s10 =	sld [smem:$0x3FAE]  }
0x3d: {  	_ =	shalt  }
0x3e: {  	_ =	shalt  }
0x3f: {  	_ =	shalt  }
0x40: {  	_ =	shalt  }
0x41: {  	_ =	shalt  }
0x42: {  	_ =	shalt  }
0x43: {  	_ =	shalt  }
0x44: {  	_ =	shalt  }
0x45: {  	_ =	shalt  }
0x46: {  	_ =	shalt  }
0x47: {  	_ =	shalt  }
0x48: {  	_ =	shalt  }
0x49: {  	_ =	shalt  }
0x4a: {  	_ =	shalt  }
0x4b: {  	_ =	shalt  }
0x4c: {  	_ =	shalt  }
0x4d: {  	_ =	shalt  }
0x4e: {  	_ =	shalt  }
0x4f: {  	_ =	shalt  }
0x50: {  	_ =	shalt  }
0x51: {  	_ =	shalt  }
0x52: {  	_ =	shalt  }
0x53: {  	_ =	shalt  }
0x54: {  	_ =	shalt  }
0x55: {  	_ =	shalt  }
0x56: {  	_ =	shalt  }
0x57: {  	_ =	shalt  }
0x58: {  	_ =	shalt  }
0x59: {  	_ =	shalt  }
0x5a: {  	_ =	shalt  }
0x5b: {  	_ =	shalt  }
0x5c: {  	_ =	shalt  }
0x5d: {  	_ =	shalt  }
0x5e: {  	_ =	shalt  }
0x5f: {  	_ =	shalt  }
0x60: {  	_ =	shalt  }
0x61: {  	_ =	shalt  }
0x62: {  	_ =	shalt  }
0x63: {  	_ =	shalt  }
0x64: {  	_ =	shalt  }
0x65: {  	_ =	shalt  }
0x66: {  	_ =	shalt  }
0x67: {  	_ =	shalt  }
0x68: {  	_ =	shalt  }
0x69: {  	_ =	shalt  }
0x6a: {  	_ =	shalt  }
0x6b: {  	_ =	shalt  }
0x6c: {  	_ =	shalt  }
0x6d: {  	_ =	shalt  }
0x6e: {  	_ =	shalt  }
0x6f: {  	_ =	shalt  }
0x70: {  	_ =	shalt  }
0x71: {  	_ =	shalt  }
0x72: {  	_ =	shalt  }
0x73: {  	_ =	shalt  }
0x74: {  	_ =	shalt  }
0x75: {  	_ =	shalt  }
0x76: {  	_ =	shalt  }
0x77: {  	_ =	shalt  }
0x78: {  	_ =	shalt  }
0x79: {  	_ =	shalt  }
0x7a: {  	_ =	shalt  }
0x7b: {  	_ =	shalt  }
0x7c: {  	_ =	shalt  }
0x7d: {  	_ =	shalt  }
0x7e: {  	_ =	shalt  }
0x7f: {  	_ =	shalt  }
0x80: {  	_ =	shalt  }
0x81: {  	_ =	shalt  }
0x82: {  	_ =	shalt  }
0x83: {  	_ =	shalt  }
0x84: {  	_ =	shalt  }
0x85: {  	_ =	shalt  }
0x86: {  	_ =	shalt  }
0x87: {  	_ =	shalt  }
.Lfunc_end0:
.L_simem_size_0:
called_computation_lowered:
.L_overlay_start_0:
0x88: {  	s2 =	sld [smem:$0x3FD9]  }
0x89: {  	s3 =	sld [smem:$0x3FFE];
	_ =	sdelay $0x1  }
0x8a: {  	s1 =	srdreg.scid  }
0x8b: {  	s0 =	sand.u32 $0x1, s1  }
0x8c: {  	s14 =	sshll.u32 s0, $0xA;
	s2 =	sadd.s32 s3, s2  }
0x8d: {  	s2 =	sadd.s32 s2, s14  }
0x8e: {  	[smem:$0x3FBA] =	sst s2  }
0x8f: {  	_ = 	snop  }
0x90: {  	s2 =	sld [smem:$0x3FD0];
	_ =	sdelay $0x2  }
0x91: {  	s15 =	simm.s32 $0xA;
	s4 =	simm.s32 $0x10  }
0x92: {  	[smem:s4], [sflag:s15] =	dma.local [hbm:s2], $0x1  }
0x93: {  	_ =	swait.eq [sflag:s15], $0x1  }
0x94: {  	[sflag:s15] =	ssyncset.done $0x0  }
0x95: {  	[sflag:s15] =	ssyncadd.s32 $0xFFFFFFFF  }
0x96: {  	s16 =	sld [smem:$0x11];
	(tm) =	ssettm $0x1  }
0x97: {  	s17 =	sld [smem:$0x3FFB];
	_ =	sdelay $0x3  }
0x98: {  	_ =	strace s17  }
0x99: {  	s3 =	sld [smem:$0x3FFC];
	_ =	sdelay $0x3  }
0x9a: {  	_ =	strace s3  }
0x9b: {  	s3 =	sld [smem:$0x3FFD];
	_ =	sdelay $0x3  }
0x9c: {  	_ =	strace s3  }
0x9d: {  	_ =	strace $0x8FFFFFFF  }
0x9e: {  	s18 =	sld [smem:$0x3FDB];
	_ =	sdelay $0x1  }
0x9f: {  	s19 =	simm.s32 $_scs_section_size  }
0xa0: {  	s5 =	simm.s32 $_size__tile_overlayer_lowered;
	s6 =	simm.s32 $_tile_overlayer_lowered  }
0xa1: {  	s22 =	simm.s32 $0x1BFF;
	s21 =	sshll.u32 s6, $0x1;
	s3 =	sadd.s32 s19, s18  }
0xa2: {  	s7 =	simm.s32 $0x0;
	s20 =	sshll.u32 s5, $0x1;
	s5 =	sadd.s32 s21, s3  }
0xa3: {  	[timem:s7], [sflag:s22] =	dma.local [hbm:s5], s20  }
0xa4: {  	_ =	swait.ge [sflag:s22], s20  }
0xa5: {  	s4 =	ssub.s32 $0x0, s20;
	[sflag:s22] =	ssyncset.done $0x0  }
0xa6: {  	[sflag:s22] =	ssyncadd.s32 s4;
	_ =	sdelay $0x1  }
0xa7: {  	s23 =	simm.s32 $0x1B8B  }
0xa8: {  	_ =	swait.ge [sflag:s23], $0x1  }
0xa9: {  	[sflag:s23] =	ssyncset.done $0x0  }
0xaa: {  	s25 =	simm.s32 $0x1B8E;
	s24 =	sld [smem:$0x3FFE];
	[sflag:s23] =	ssyncadd.s32 $0xFFFFFFFF  }
0xab: {  	s26 =	simm.s32 $execute0_lowered;
	[smem:$0x3FD2] =	sst s25  }
0xac: {  	s5 =	sshll.u32 s26, $0x1;
	_ =	strace $0x80000046;
	[dreg:$0x1] =	wrdreg $0xFFFFFFFF  }
0xad: {  	s28 =	simm.s32 $_size_execute0_lowered;
	s3 =	sadd.s32 s3, s5;
	[dreg:$0x0] =	wrdreg $0x0  }
0xae: {  	s5 =	sshll.u32 s28, $0x1;
	[dreg:$0x2] =	wrdreg s3  }
0xaf: {  	[dreg:$0x3] =	wrdreg s5  }
0xb0: {  	[dreg:$0x4] =	wrdreg $0xC0  }
0xb1: {  	_ =	task [dreg:s7], $0x5FFFF  }
0xb2: {  	[dreg:$0x1] =	wrdreg $0xFFFFFFFF  }
0xb3: {  	[dreg:$0x0] =	wrdreg $0x60  }
0xb4: {  	[dreg:$0x2] =	wrdreg s16  }
0xb5: {  	[dreg:$0x3] =	wrdreg s24  }
0xb6: {  	[dreg:$0x4] =	wrdreg $0xC0000  }
0xb7: {  	[dreg:$0x5] =	wrdreg $0x160000  }
0xb8: {  	[dreg:$0x6] =	wrdreg $0x9  }
0xb9: {  	_ =	task.clear_ibuf [dreg:s7], $0x7FFFF;
	_ =	strace $0x90000046  }
0xba: {  	s29 =	simm.s32 $0x9;
	_ =	strace $0x80000048  }
0xbb: {  	_ =	swait.ge [sflag:s29], $0x1  }
0xbc: {  	[sflag:s29] =	ssyncadd.s32 $0xFFFFFFFF  }
0xbd: {  	_ =	strace $0x90000048  }
0xbe: {  	_ =	sfence  }
0xbf: {  	s30 =	sld [smem:$0x0];
	_ =	sdelay $0x2  }
0xc0: {  	s31 =	sshll.u32 s1, $0xD;
	s1 =	sshrl.u32 s1, $0x2  }
0xc1: {  	s3 =	sand.u32 $0x4000, s31;
	s1 =	sadd.s32 s1, s30  }
0xc2: {  	s0 =	sor.u32 s3, s0;
	s1 =	sshll.u32 s1, $0x11  }
0xc3: {  	s0 =	sor.u32 s1, s0  }
0xc4: {  	s0 =	sadd.s32 $0x8F2B, s0  }
0xc5: {  	[sflag:s0] =	ssyncadd.remote.s32 $0x1  }
0xc6: {  	_ =	sfence.sel $0xFFFF  }
0xc7: {  	[dreg:$0x0] =	wrdreg $0xFFFFFFFF;
	(pc) =	sbr.abs _section_cstart, $3  }
0xc8: {  	[dreg:$0x1] =	wrdreg $0xFFFFFFFF  }
0xc9: {  	_ =	task.clear_ibuf [dreg:s7], $0x2FFFF;
	_ =	strace $0x9FFFFFFF  }
0xca: {  	(tm) =	ssettm $0x7FFFFFFF  }
0xcb: {  	_ =	shalt  }
tec
execute0_lowered:
.L_overlay_start_1:
0x0: {  	(tag) =	ssettag $0x1  }
0x1: {  	s8 =	rddreg [dreg:$0x0]  }
0x2: {  	s5 =	rddreg [dreg:$0x1]  }
0x3: {  	s2 =	rddreg [dreg:$0x2]  }
0x4: {  	s3 =	rddreg [dreg:$0x3];
	s1 =	stileid.u32  }
0x5: {  	s0 =	rddreg [dreg:$0x4];
	s4 =	simm.s32 $0x0;
	s6 =	smul.u32 $0xA00, s1  }
0x6: {  	s9 =	srdreg.scid;
	s19 =	simm.s32 $0x80;
	s7 =	smul.u32 $0xA000, s1  }
0x7: {  	s20 =	simm.s32 $0xA000;
	s21 =	simm.s32 $0x1;
	s12 =	smul.u32 $0x278, s1  }
0x8: {  	[smem:$0x7FF] =	sst s4;
	s23 =	sand.u32 $0x1, s9;
	s14 =	smul.u32 $0x27800, s1  }
0x9: {  	s15 =	sadd.s32 $0x29E00, s5;
	s26 =	sshll.u32 s1, $0x6;
	s18 =	sadd.s32 $0x94200, s3  }
0xa: {  	s22 =	sadd.s32 $0x94200, s2;
	p0 =	seq.s32 s1, $0xF;
	s25 =	smul.u32 $0x2710, s23  }
0xb: {  	_ =	strace $0x80000047;
	s11 =	ssub.s32 $0x2, s23;
	s17 =	smul.u32 $0x9C400, s23  }
0xc: {  	s22 =	sshrl.u32 @p0 s22, $0x3;
	s10 =	sadd.s32 s6, s5;
	s24 =	sshrl.u32 s7, $0x3  }
0xd: {  	s13 =	sshrl.u32 s11, $0x1;
	s16 =	sadd.s32 s7, s2;
	s6 =	sor.u32 $0x1C02, s26  }
0xe: {  	s29 =	sshrl.u32 s14, $0x2;
	s9 =	sadd.s32 s24, s5;
	s13 =	ssub.s32 s11, s13  }
0xf: {  	s28 =	sadd.s32 s12, s25;
	s30 =	sshrl.u32 s17, $0x3;
	s17 =	sadd.s32 s29, s3  }
0x10: {  	s23 =	sadd.s32 s29, s2;
	s14 =	sshrl.u32 s16, $0x3;
	s16 =	sshrl.u32 @p0 s18, $0x3  }
0x11: {  	s18 =	simm.s32 $0x5000;
	s24 =	simm.s32 $0x0;
	s5 =	sadd.s32 $0x15E00, s9  }
0x12: {  	s11 =	sshll.u32 s28, $0x3;
	s31 =	sadd.s32 $0x12840, s30;
	s9 =	sadd.s32 $0x1E00, s10  }
0x13: {  	s10 =	sadd.s32 $0xBE00, s10;
	s13 =	smax.u32 s13, $0x1;
	s17 =	sshrl.u32 @!p0 s17, $0x3  }
0x14: {  	s23 =	sshrl.u32 @!p0 s23, $0x3;
	s7 =	sadd.s32 s8, s11;
	s8 =	sadd.s32 s8, s31  }
0x15: {  	s11 =	sadd.s32 s15, s11;
	s12 =	sadd.s32 s15, s31;
	s15 =	simm.s32 $0x2  }
.LBB2_1:
0x16: {  	[spmem:s14], [sflag:s6] =	dma.local [hbm:s5], $0x1400  }
0x17: {  	_ =	swait.ge [sflag:s15], $0x1400  }
0x18: {  	[sflag:s15] =	ssyncset.done $0x0  }
0x19: {  	[sflag:s15] =	ssyncadd.s32 $0xFFFFEC00  }
0x1a: {  	s25 =	simm.s32 @p0 $0x2;
	[bflag:$0x0] =	sbarrier.arrive $0xFFFF  }
0x1b: {  	[spmem:s16], [sflag:s6] =	dma.local @p0 [hbm:s8], $0x1040  }
0x1c: {  	_ =	swait.ge @p0 [sflag:s25], $0x1040  }
0x1d: {  	[sflag:s25] =	ssyncset.done @p0 $0x0  }
0x1e: {  	[sflag:s25] =	ssyncadd.s32 @p0 $0xFFFFEFC0;
	s25 =	simm.s32 @!p0 $0x2  }
0x1f: {  	[spmem:s17], [sflag:s6] =	dma.local @!p0 [hbm:s7], $0x13C0  }
0x20: {  	_ =	swait.ge @!p0 [sflag:s25], $0x13C0  }
0x21: {  	[sflag:s25] =	ssyncset.done @!p0 $0x0  }
0x22: {  	[sflag:s25] =	ssyncadd.s32 @!p0 $0xFFFFEC40  }
0x23: {  	[tilespmem:s4], [sflag:$0x2] =	stream.linear.gather [hbm4b:s9+s4], $0x5000, $0x38;
	v63 =	vld [tilespmem:$0x0]  }
0x24: {  	_ =	swait.ge [sflag:s15], $0x5000  }
0x25: {  	[sflag:s15] =	ssyncset.done $0x0  }
0x26: {  	[sflag:s15] =	ssyncadd.s32 $0xFFFFB000  }
0x27: {  	[tilespmem:s18], [sflag:$0x2] =	stream.linear.gather [hbm4b:s10+s4], $0x5000, $0x38;
	v63 =	vld [tilespmem:$0x0]  }
0x28: {  	_ =	swait.ge [sflag:s15], $0x5000  }
0x29: {  	[sflag:s15] =	ssyncset.done $0x0  }
0x2a: {  	[sflag:s15] =	ssyncadd.s32 $0xFFFFB000  }
0x2b: {  	s30 =	simm.s32 $0x0;
	[bflag:$0x0] =	sbarrier.arrive $0xFFFF  }
0x2c: {  	[tilespmem:s20], [sflag:$0x1] =	stream.indirect.gather [spmem:s3], $0x40, s30, s19, $0xb8;
	v63 =	vld [tilespmem:$0x0]  }
0x2d: {  	_ =	swait.ge [sflag:s21], $0x2000  }
0x2e: {  	[sflag:s21] =	ssyncset.done $0x0  }
0x2f: {  	s31 =	simm.s32 $0x5000;
	[sflag:s21] =	ssyncadd.s32 $0xFFFFE000  }
0x30: {  	[spmem:s2] =	stream.indirect.scatter.add.f32 [tilespmem:s20], [sflag:$0x2], $0x40, s31, s19, $0xb8;
	v63 =	vld [tilespmem:$0x0]  }
0x31: {  	_ =	swait.ge [sflag:s15], $0x2000  }
0x32: {  	s26 =	simm.s32 $0x400;
	s25 =	simm.s32 $0x200;
	[sflag:s15] =	ssyncset.done $0x0  }
.LBB2_2:
0x33: {  	s28 =	sshra.s32 s25, $0x2  }
0x34: {  	[sflag:s15] =	ssyncadd.s32 $0xFFFFE000;
	s25 =	smov.u32 s26;
	s29 =	sadd.s32 $0x200, s26  }
0x35: {  	[tilespmem:s20], [sflag:$0x1] =	stream.indirect.gather [spmem:s3], $0x40, s28, s19, $0xb8;
	v63 =	vld [tilespmem:$0x0]  }
0x36: {  	p1 =	sne.s32 s26, $0x13E00;
	_ =	swait.ge [sflag:s21], $0x2000  }
.Ltmp0:
0x37: {  	[sflag:s21] =	ssyncset.done $0x0;
	(pc) =	sbr.rel @p1 .LBB2_2-.Ltmp0, $4  }
0x38: {  	s26 =	sadd.s32 $0x5000, s28;
	[sflag:s21] =	ssyncadd.s32 $0xFFFFE000  }
0x39: {  	[spmem:s2] =	stream.indirect.scatter.add.f32 [tilespmem:s20], [sflag:$0x2], $0x40, s26, s19, $0xb8;
	v63 =	vld [tilespmem:$0x0]  }
0x3a: {  	_ =	swait.ge [sflag:s15], $0x2000  }
0x3b: {  	s26 =	smov.u32 s29;
	[sflag:s15] =	ssyncset.done $0x0  }
0x3c: {  	s25 =	sshra.s32 s25, $0x2;
	[sflag:s15] =	ssyncadd.s32 $0xFFFFE000  }
0x3d: {  	[tilespmem:s20], [sflag:$0x1] =	stream.indirect.gather [spmem:s3], $0x40, s25, s19, $0xb8;
	v63 =	vld [tilespmem:$0x0]  }
0x3e: {  	_ =	swait.ge [sflag:s21], $0x2000  }
0x3f: {  	[sflag:s21] =	ssyncset.done $0x0  }
0x40: {  	s25 =	sadd.s32 $0x5000, s25;
	[sflag:s21] =	ssyncadd.s32 $0xFFFFE000  }
0x41: {  	[spmem:s2] =	stream.indirect.scatter.add.f32 [tilespmem:s20], [sflag:$0x2], $0x40, s25, s19, $0xb8;
	v63 =	vld [tilespmem:$0x0]  }
0x42: {  	_ =	swait.ge [sflag:s15], $0x2000  }
0x43: {  	[sflag:s15] =	ssyncset.done $0x0  }
0x44: {  	[sflag:s15] =	ssyncadd.s32 $0xFFFFE000  }
0x45: {  	s25 =	simm.s32 @p0 $0x2;
	[bflag:$0x0] =	sbarrier.arrive $0xFFFF  }
0x46: {  	[hbm:s12], [sflag:s6] =	dma.local @p0 [spmem:s22], $0x1040  }
0x47: {  	s24 =	sadd.s32 $0x1, s24;
	_ =	swait.ge @p0 [sflag:s25], $0x1040  }
0x48: {  	p1 =	sne.s32 s24, s13;
	[sflag:s25] =	ssyncset.done @p0 $0x0  }
.Ltmp1:
0x49: {  	[sflag:s25] =	ssyncadd.s32 @p0 $0xFFFFEFC0;
	s25 =	simm.s32 @!p0 $0x2;
	(pc) =	sbr.rel @p1 .LBB2_1-.Ltmp1, $4  }
0x4a: {  	[hbm:s11], [sflag:s6] =	dma.local @!p0 [spmem:s23], $0x13C0  }
0x4b: {  	_ =	swait.ge @!p0 [sflag:s25], $0x13C0  }
0x4c: {  	[sflag:s25] =	ssyncset.done @!p0 $0x0  }
0x4d: {  	[sflag:s25] =	ssyncadd.s32 @!p0 $0xFFFFEC40  }
0x4e: {  	_ =	sfence.sel $0x180000  }
0x4f: {  	[bflag:$0x0] =	sbarrier.arrive $0xFFFF  }
0x50: {  	p0 =	sne.s32 s1, $0x0;
	_ =	strace $0x90000047  }
0x51: {  	s0 =	sadd.s32 @!p0 $0x100000, s0;
	[bflag:$0x2] =	sbarrier.arrive $0xFFFF  }
0x52: {  	[sflag:s0] =	ssyncadd.tile.s32 @!p0 $0x1;
	_ =	shalt  }
.Lfunc_end2:
_tile_overlayer_lowered:
.L_overlay_start_2:
0x53: {  	(tag) =	ssettag $0x2  }
0x54: {  	s0 =	rddreg [dreg:$0x0];
	s2 =	stileid.u32  }
0x55: {  	s1 =	rddreg [dreg:$0x1];
	p0 =	sne.s32 s2, $0x0  }
0x56: {  	s3 =	rddreg [dreg:$0x2];
	[bflag:$0x3] =	sbarrier.arrive $0xFFFF;
	s2 =	simm.s32 @!p0 $0x1C02  }
0x57: {  	[timem:s3], [sflag:s2] =	dma.local @!p0 [hbm:s0], s1  }
0x58: {  	s0 =	simm.s32 @!p0 $0x2  }
0x59: {  	_ =	swait.ge @!p0 [sflag:s0], s1  }
0x5a: {  	s1 =	ssub.s32 @!p0 $0x0, s1;
	[sflag:s0] =	ssyncset.done @!p0 $0x0  }
0x5b: {  	[sflag:s0] =	ssyncadd.s32 @!p0 s1  }
0x5c: {  	[bflag:$0x3] =	sbarrier.arrive $0xFFFF  }
0x5d: {  	_ =	shalt  }

</sc_bundles>
